<compile_context>
chip_gen: v7x
topology: tpu7x:2x2x1
jax: 0.10.2.dev20260603
libtpu: 0.0.44.dev20260713+nightly
codegen_flags: <defaults>
</compile_context>

<pallas_src>
import functools

import jax
import jax.numpy as jnp
from jax import lax
from jax.experimental import pallas as pl
from jax.experimental.pallas import tpu as pltpu
from jax.experimental.pallas import tpu_sc as plsc

N = 10000
E = 320000
D = 128
RES = 0.1

NC, NS, L = 2, 16, 16
NW = NC * NS
EPT = E // NW
VPT = EPT // L
CB = 128
CPT = 80
NCHUNK = NW * CPT
EPAD = NCHUNK * CB
NPAD = 10240
RPT = NPAD // NS

_mesh = plsc.VectorSubcoreMesh(
    core_axis_name="c", subcore_axis_name="s", num_cores=NC, num_subcores=NS
)
_sc_params = pltpu.CompilerParams(needs_layout_passes=False)



@functools.partial(
    pl.kernel,
    out_type=jax.ShapeDtypeStruct((2 * NW, N), jnp.float32),
    mesh=_mesh,
    compiler_params=_sc_params,
    scratch_types=[
        pltpu.VMEM((N,), jnp.float32),
        pltpu.VMEM((N,), jnp.float32),
        pltpu.VMEM((EPT,), jnp.int32),
        pltpu.VMEM((EPT,), jnp.int32),
    ],
)
def _deg_kernel(src_hbm, dst_hbm, zeros1_hbm, out_hbm, accs, accd, sbuf, dbuf):
    wid = lax.axis_index("s") * NC + lax.axis_index("c")
    base = wid * EPT
    pltpu.sync_copy(zeros1_hbm, accs)
    pltpu.sync_copy(zeros1_hbm, accd)
    pltpu.sync_copy(src_hbm.at[pl.ds(base, EPT)], sbuf)
    pltpu.sync_copy(dst_hbm.at[pl.ds(base, EPT)], dbuf)
    ones = jnp.full((L,), 1.0, jnp.float32)

    def body(i, carry):
        s = sbuf[pl.ds(i * L, L)]
        d = dbuf[pl.ds(i * L, L)]
        plsc.addupdate_scatter(accs, [s], ones)
        plsc.addupdate_scatter(accd, [d], ones)
        return carry

    lax.fori_loop(0, VPT, body, 0)
    pltpu.sync_copy(accs, out_hbm.at[wid])
    pltpu.sync_copy(accd, out_hbm.at[NW + wid])


@functools.partial(
    pl.kernel,
    out_type=jax.ShapeDtypeStruct((NC, NPAD, D), jnp.float32),
    mesh=_mesh,
    compiler_params=_sc_params,
    scratch_types=[
        pltpu.VMEM_SHARED((NPAD, D), jnp.float32),
        pltpu.VMEM((CPT, CB), jnp.int32),
        pltpu.VMEM((CPT, CB), jnp.int32),
        pltpu.VMEM((CB, D), jnp.float32),
        pltpu.SemaphoreType.DMA,
    ],
)
def _agg_kernel(table_hbm, srcp_hbm, dstp_hbm, zeros2_hbm, out_hbm,
                acc, sidx, didx, rows, sem):
    cid = lax.axis_index("c")
    sid = lax.axis_index("s")
    wid = sid * NC + cid
    pltpu.sync_copy(zeros2_hbm, acc.at[pl.ds(sid * RPT, RPT)])
    pltpu.sync_copy(srcp_hbm.at[pl.ds(wid * CPT, CPT)], sidx)
    pltpu.sync_copy(dstp_hbm.at[pl.ds(wid * CPT, CPT)], didx)
    plsc.subcore_barrier()

    def body(j, carry):
        pltpu.async_copy(table_hbm.at[sidx.at[j]], rows, sem).wait()
        pltpu.sync_copy(rows, acc.at[didx.at[j]], add=True)
        return carry

    lax.fori_loop(0, CPT, body, 0)
    plsc.subcore_barrier()
    pltpu.sync_copy(acc.at[pl.ds(sid * RPT, RPT)],
                    out_hbm.at[cid, pl.ds(sid * RPT, RPT)])


@functools.partial(
    pl.kernel,
    out_type=jax.ShapeDtypeStruct((E,), jnp.float32),
    mesh=_mesh,
    compiler_params=_sc_params,
    scratch_types=[
        pltpu.VMEM((N,), jnp.float32),
        pltpu.VMEM((N,), jnp.float32),
        pltpu.VMEM((EPT,), jnp.int32),
        pltpu.VMEM((EPT,), jnp.int32),
        pltpu.VMEM((EPT,), jnp.float32),
    ],
)
def _logit_kernel(u_hbm, v_hbm, es_hbm, ed_hbm, out_hbm,
                  ub, vb, sbuf, dbuf, obuf):
    wid = lax.axis_index("s") * NC + lax.axis_index("c")
    base = wid * EPT
    pltpu.sync_copy(u_hbm, ub)
    pltpu.sync_copy(v_hbm, vb)
    pltpu.sync_copy(es_hbm.at[pl.ds(base, EPT)], sbuf)
    pltpu.sync_copy(ed_hbm.at[pl.ds(base, EPT)], dbuf)
    one = jnp.full((L,), 1.0, jnp.float32)

    def body(i, carry):
        s = sbuf[pl.ds(i * L, L)]
        d = dbuf[pl.ds(i * L, L)]
        lu = plsc.load_gather(ub, [s])
        lv = plsc.load_gather(vb, [d])
        obuf[pl.ds(i * L, L)] = one / (one + jnp.exp(-(lu + lv)))
        return carry

    lax.fori_loop(0, VPT, body, 0)
    pltpu.sync_copy(obuf, out_hbm.at[pl.ds(base, EPT)])



def _norm_from(degp, lo):
    deg = jnp.sum(degp[lo:lo + NW], axis=0)
    return jnp.where(deg > 0, 1.0 / jnp.sqrt(jnp.maximum(deg, 1.0)), 0.0)


def _k2_body(degp_ref, x_ref, w1_ref, out_ref):
    ns = _norm_from(degp_ref[...], 0)
    t = jnp.dot(x_ref[...], w1_ref[...], preferred_element_type=jnp.float32)
    out_ref[pl.ds(0, N), :] = t * ns[:, None]
    out_ref[pl.ds(N, NPAD - N), :] = jnp.zeros((NPAD - N, D), jnp.float32)


def _k4_body(parts_ref, degp_ref, x_ref, w2_ref, b1_ref, out_ref):
    p = parts_ref[...]
    degp = degp_ref[...]
    ns = _norm_from(degp, 0)
    nd = _norm_from(degp, NW)
    h1 = (p[0, :N] + p[1, :N]) * nd[:, None] + b1_ref[...] + RES * x_ref[...]
    h1 = jnp.maximum(h1, 0.0)
    t = jnp.dot(h1, w2_ref[...], preferred_element_type=jnp.float32)
    out_ref[pl.ds(0, N), :] = t * ns[:, None]
    out_ref[pl.ds(N, NPAD - N), :] = jnp.zeros((NPAD - N, D), jnp.float32)


def _k6_body(parts_ref, degp_ref, x_ref, b2_ref, wc1_ref, wc2_ref, bc_ref,
             z_ref, u_ref, v_ref):
    p = parts_ref[...]
    nd = _norm_from(degp_ref[...], NW)
    z = (p[0, :N] + p[1, :N]) * nd[:, None] + b2_ref[...] + RES * x_ref[...]
    z_ref[...] = z
    u_ref[...] = jnp.dot(z, wc1_ref[...],
                         preferred_element_type=jnp.float32) + bc_ref[0, 0]
    v_ref[...] = jnp.dot(z, wc2_ref[...], preferred_element_type=jnp.float32)


_k2 = pl.pallas_call(
    _k2_body, out_shape=jax.ShapeDtypeStruct((NPAD, D), jnp.float32))
_k4 = pl.pallas_call(
    _k4_body, out_shape=jax.ShapeDtypeStruct((NPAD, D), jnp.float32))
_k6 = pl.pallas_call(
    _k6_body,
    out_shape=(
        jax.ShapeDtypeStruct((N, D), jnp.float32),
        jax.ShapeDtypeStruct((N, 1), jnp.float32),
        jax.ShapeDtypeStruct((N, 1), jnp.float32),
    ),
)


def kernel(x, graph_edge_index, edge_index, W1, b1, W2, b2, Wc, bc):
    src = graph_edge_index[0]
    dst = graph_edge_index[1]
    es = edge_index[0]
    ed = edge_index[1]
    zeros1 = jnp.zeros((N,), jnp.float32)
    zeros2 = jnp.zeros((RPT, D), jnp.float32)
    pad = jnp.full((EPAD - E,), N, jnp.int32)
    srcp = jnp.concatenate([src, pad]).reshape(NCHUNK, CB)
    dstp = jnp.concatenate([dst, pad]).reshape(NCHUNK, CB)

    degp = _deg_kernel(src, dst, zeros1)
    t1 = _k2(degp, x, W1)
    parts1 = _agg_kernel(t1, srcp, dstp, zeros2)
    t2 = _k4(parts1, degp, x, W2, b1.reshape(1, D))
    parts2 = _agg_kernel(t2, srcp, dstp, zeros2)
    z, u, v = _k6(parts2, degp, x, b2.reshape(1, D),
                  Wc[:D], Wc[D:], bc.reshape(1, 1))
    sig = _logit_kernel(u.reshape(N), v.reshape(N), es, ed)
    return z, sig.reshape(E, 1)

# --- scband reference (transcript-rebuilt; emitter-appended) ---
"""Pipeline reference for scband-gcn-gae-34720515620915 (READ-ONLY COPY).

The authoritative reference and input builder live on the scoring server;
editing this copy changes nothing except your own understanding.
"""

import jax, jax.numpy as jnp
import numpy as np

N_NODES = 10000
N_EDGES = 320000
D_FEAT = 128
OUT_DIM = 1
RESIDUAL = 0.1


def setup_inputs(seed: int = 0) -> dict:
    key = jax.random.key(seed)
    ks = jax.random.split(key, 10)
    x = jax.random.normal(ks[0], (N_NODES, D_FEAT), dtype=jnp.float32)
    graph_edge_index = jax.random.randint(ks[1], (2, N_EDGES), 0, N_NODES, dtype=jnp.int32)
    edge_index = jax.random.randint(ks[2], (2, N_EDGES), 0, N_NODES, dtype=jnp.int32)
    s = 1.0 / np.sqrt(D_FEAT)
    W1 = jax.random.uniform(ks[3], (D_FEAT, D_FEAT), jnp.float32, -s, s)
    b1 = jnp.zeros((D_FEAT,), jnp.float32)
    W2 = jax.random.uniform(ks[4], (D_FEAT, D_FEAT), jnp.float32, -s, s)
    b2 = jnp.zeros((D_FEAT,), jnp.float32)
    sc = 1.0 / np.sqrt(2 * D_FEAT)
    Wc = jax.random.uniform(ks[5], (2 * D_FEAT, OUT_DIM), jnp.float32, -sc, sc)
    bc = jnp.zeros((OUT_DIM,), jnp.float32)
    return {"x": x, "graph_edge_index": graph_edge_index, "edge_index": edge_index,
            "W1": W1, "b1": b1, "W2": W2, "b2": b2, "Wc": Wc, "bc": bc}


def _gcn_conv(x, W, b, src, dst, n_nodes):
    # DGL GraphConv with norm='both': D_dst^{-1/2} A D_src^{-1/2} X W + b
    deg_out = jnp.bincount(src, length=n_nodes).astype(x.dtype)
    deg_in = jnp.bincount(dst, length=n_nodes).astype(x.dtype)
    norm_src = jnp.where(deg_out > 0, 1.0 / jnp.sqrt(jnp.maximum(deg_out, 1.0)), 0.0)
    norm_dst = jnp.where(deg_in > 0, 1.0 / jnp.sqrt(jnp.maximum(deg_in, 1.0)), 0.0)
    xw = x @ W
    h = xw * norm_src[:, None]
    m = jnp.take(h, src, axis=0)
    agg = jax.ops.segment_sum(m, dst, num_segments=n_nodes)
    return agg * norm_dst[:, None] + b


def reference(x, graph_edge_index, edge_index, W1, b1, W2, b2, Wc, bc):
    src = graph_edge_index[0]
    dst = graph_edge_index[1]
    f = x
    h = _gcn_conv(f, W1, b1, src, dst, N_NODES) + RESIDUAL * f
    # prop_step = 2 -> one more propagation with conv2
    h = jax.nn.relu(h)
    h = _gcn_conv(h, W2, b2, src, dst, N_NODES) + RESIDUAL * f
    src_ids = edge_index[0]
    dst_ids = edge_index[1]
    hs = jnp.take(h, src_ids, axis=0)
    hd = jnp.take(h, dst_ids, axis=0)
    h_pair = jnp.concatenate([hs, hd], axis=1)
    logits = h_pair @ Wc + bc
    z = h
    return (z, jax.nn.sigmoid(logits))

if __name__ == "__main__":
    import jax
    _d = setup_inputs()
    print(jax.jit(kernel)(*tuple(_d.values())))

</pallas_src>

<mosaic_0001>
#map = affine_map<(d0, d1) -> (0)>
module attributes {stable_mosaic.version = 14 : i64} {
  func.func @_logit_kernel(%arg0: i32, %arg1: i32, %arg2: memref<10000xf32, #tpu.memory_space<hbm>>, %arg3: memref<10000xf32, #tpu.memory_space<hbm>>, %arg4: memref<320000xi32, #tpu.memory_space<hbm>>, %arg5: memref<320000xi32, #tpu.memory_space<hbm>>, %arg6: memref<320000xf32, #tpu.memory_space<hbm>>, %arg7: memref<10000xf32, #tpu.memory_space<vmem>>, %arg8: memref<10000xf32, #tpu.memory_space<vmem>>, %arg9: memref<10000xi32, #tpu.memory_space<vmem>>, %arg10: memref<10000xi32, #tpu.memory_space<vmem>>, %arg11: memref<10000xf32, #tpu.memory_space<vmem>>) attributes {dimension_semantics = [#tpu.dimension_semantics<core_parallel>, #tpu.dimension_semantics<subcore_parallel>], iteration_bounds = array<i64: 2, 16>, scalar_prefetch = 0 : i64, scratch_operands = 5 : i64, tpu.core_type = #tpu.core_type<sc_vector_subcore>, window_params = [{transform_indices = #map}, {transform_indices = #map}, {transform_indices = #map}, {transform_indices = #map}, {transform_indices = #map}]} {
    %mul3A = arith.constant 2 : i32
    %mul3A_0 = arith.muli %arg1, %mul3A : i32
    %add3A = arith.addi %mul3A_0, %arg0 : i32
    %mul3A_1 = arith.constant 10000 : i32
    %mul3A_2 = arith.muli %add3A, %mul3A_1 : i32
    "tpu.region"() ({
      %run_scoped3A = tpu.sem_alloc : memref<!tpu.dma_semaphore, #tpu.memory_space<semaphore_mem>>
      tpu.enqueue_dma source(%arg2 : memref<10000xf32, #tpu.memory_space<hbm>>) target(%arg7 : memref<10000xf32, #tpu.memory_space<vmem>>) target_semaphore(%run_scoped3A : memref<!tpu.dma_semaphore, #tpu.memory_space<semaphore_mem>>)
      tpu.wait_dma2 semaphore(%run_scoped3A : memref<!tpu.dma_semaphore, #tpu.memory_space<semaphore_mem>>) src(%arg2 : memref<10000xf32, #tpu.memory_space<hbm>>) dst(%arg7 : memref<10000xf32, #tpu.memory_space<vmem>>)
      tpu.yield
    }) : () -> ()
    "tpu.region"() ({
      %run_scoped3A = tpu.sem_alloc : memref<!tpu.dma_semaphore, #tpu.memory_space<semaphore_mem>>
      tpu.enqueue_dma source(%arg3 : memref<10000xf32, #tpu.memory_space<hbm>>) target(%arg8 : memref<10000xf32, #tpu.memory_space<vmem>>) target_semaphore(%run_scoped3A : memref<!tpu.dma_semaphore, #tpu.memory_space<semaphore_mem>>)
      tpu.wait_dma2 semaphore(%run_scoped3A : memref<!tpu.dma_semaphore, #tpu.memory_space<semaphore_mem>>) src(%arg3 : memref<10000xf32, #tpu.memory_space<hbm>>) dst(%arg8 : memref<10000xf32, #tpu.memory_space<vmem>>)
      tpu.yield
    }) : () -> ()
    "tpu.region"() ({
      %run_scoped3A = tpu.sem_alloc : memref<!tpu.dma_semaphore, #tpu.memory_space<semaphore_mem>>
      %dma_start3A = tpu.memref_slice %arg4[%mul3A_2] : memref<320000xi32, #tpu.memory_space<hbm>> -> memref<10000xi32, #tpu.memory_space<hbm>>
      %dma_start3A_9 = tpu.memref_slice %arg4[%mul3A_2] : memref<320000xi32, #tpu.memory_space<hbm>> -> memref<10000xi32, #tpu.memory_space<hbm>>
      tpu.enqueue_dma source(%dma_start3A_9 : memref<10000xi32, #tpu.memory_space<hbm>>) target(%arg9 : memref<10000xi32, #tpu.memory_space<vmem>>) target_semaphore(%run_scoped3A : memref<!tpu.dma_semaphore, #tpu.memory_space<semaphore_mem>>)
      %dma_wait3A = tpu.memref_slice %arg4[%mul3A_2] : memref<320000xi32, #tpu.memory_space<hbm>> -> memref<10000xi32, #tpu.memory_space<hbm>>
      %dma_wait3A_10 = tpu.memref_slice %arg4[%mul3A_2] : memref<320000xi32, #tpu.memory_space<hbm>> -> memref<10000xi32, #tpu.memory_space<hbm>>
      tpu.wait_dma2 semaphore(%run_scoped3A : memref<!tpu.dma_semaphore, #tpu.memory_space<semaphore_mem>>) src(%dma_wait3A_10 : memref<10000xi32, #tpu.memory_space<hbm>>) dst(%arg9 : memref<10000xi32, #tpu.memory_space<vmem>>)
      tpu.yield
    }) : () -> ()
    "tpu.region"() ({
      %run_scoped3A = tpu.sem_alloc : memref<!tpu.dma_semaphore, #tpu.memory_space<semaphore_mem>>
      %dma_start3A = tpu.memref_slice %arg5[%mul3A_2] : memref<320000xi32, #tpu.memory_space<hbm>> -> memref<10000xi32, #tpu.memory_space<hbm>>
      %dma_start3A_9 = tpu.memref_slice %arg5[%mul3A_2] : memref<320000xi32, #tpu.memory_space<hbm>> -> memref<10000xi32, #tpu.memory_space<hbm>>
      tpu.enqueue_dma source(%dma_start3A_9 : memref<10000xi32, #tpu.memory_space<hbm>>) target(%arg10 : memref<10000xi32, #tpu.memory_space<vmem>>) target_semaphore(%run_scoped3A : memref<!tpu.dma_semaphore, #tpu.memory_space<semaphore_mem>>)
      %dma_wait3A = tpu.memref_slice %arg5[%mul3A_2] : memref<320000xi32, #tpu.memory_space<hbm>> -> memref<10000xi32, #tpu.memory_space<hbm>>
      %dma_wait3A_10 = tpu.memref_slice %arg5[%mul3A_2] : memref<320000xi32, #tpu.memory_space<hbm>> -> memref<10000xi32, #tpu.memory_space<hbm>>
      tpu.wait_dma2 semaphore(%run_scoped3A : memref<!tpu.dma_semaphore, #tpu.memory_space<semaphore_mem>>) src(%dma_wait3A_10 : memref<10000xi32, #tpu.memory_space<hbm>>) dst(%arg10 : memref<10000xi32, #tpu.memory_space<vmem>>)
      tpu.yield
    }) : () -> ()
    %broadcast_in_dim3A = arith.constant 1.000000e+00 : f32
    %broadcast_in_dim3A_3 = vector.broadcast %broadcast_in_dim3A : f32 to vector<16xf32>
    %scan3A = arith.constant 0 : i32
    %scan3A_4 = arith.constant 0 : i32
    %scan3A_5 = arith.constant 625 : i32
    %scan3A_6 = arith.addi %scan3A_4, %scan3A_5 : i32
    %scan3A_7 = arith.constant 1 : i32
    scf.for %scan3A_9 = %scan3A_4 to %scan3A_6 step %scan3A_7  : i32 {
      %mul3A_10 = arith.constant 16 : i32
      %mul3A_11 = arith.muli %scan3A_9, %mul3A_10 : i32
      %get3A = arith.index_cast %mul3A_11 : i32 to index
      %get3A_12 = tpu.vector_load %arg9[%get3A] {strides = array<i32>} : memref<10000xi32, #tpu.memory_space<vmem>>, vector<16xi32>,
      %mul3A_13 = arith.constant 16 : i32
      %mul3A_14 = arith.muli %scan3A_9, %mul3A_13 : i32
      %get3A_15 = arith.index_cast %mul3A_14 : i32 to index
      %get3A_16 = tpu.vector_load %arg10[%get3A_15] {strides = array<i32>} : memref<10000xi32, #tpu.memory_space<vmem>>, vector<16xi32>,
      %gather3A = tpu.vector_load_idx %arg7[%get3A_12] : memref<10000xf32, #tpu.memory_space<vmem>>[vector<16xi32>], vector<16xf32>,
      %gather3A_17 = tpu.vector_load_idx %arg8[%get3A_16] : memref<10000xf32, #tpu.memory_space<vmem>>[vector<16xi32>], vector<16xf32>,
      %add3A_18 = arith.addf %gather3A, %gather3A_17 : vector<16xf32>
      %neg3A = arith.constant 0.000000e+00 : f32
      %neg3A_19 = vector.broadcast %neg3A : f32 to vector<16xf32>
      %neg3A_20 = arith.subf %neg3A_19, %add3A_18 : vector<16xf32>
      %exp3A = math.exp %neg3A_20 : vector<16xf32>
      %add3A_21 = arith.addf %broadcast_in_dim3A_3, %exp3A : vector<16xf32>
      %div3A = arith.divf %broadcast_in_dim3A_3, %add3A_21 : vector<16xf32>
      %mul3A_22 = arith.constant 16 : i32
      %mul3A_23 = arith.muli %scan3A_9, %mul3A_22 : i32
      %swap3A = arith.index_cast %mul3A_23 : i32 to index
      %swap3A_24 = tpu.vector_load %arg11[%swap3A] {strides = array<i32>} : memref<10000xf32, #tpu.memory_space<vmem>>, vector<16xf32>,
      tpu.vector_store %arg11[%swap3A], %div3A {strides = array<i32>} : memref<10000xf32, #tpu.memory_space<vmem>>, vector<16xf32>,
    }
    %scan3A_8 = arith.constant 625 : i32
    "tpu.region"() ({
      %run_scoped3A = tpu.sem_alloc : memref<!tpu.dma_semaphore, #tpu.memory_space<semaphore_mem>>
      %dma_start3A = tpu.memref_slice %arg6[%mul3A_2] : memref<320000xf32, #tpu.memory_space<hbm>> -> memref<10000xf32, #tpu.memory_space<hbm>>
      %dma_start3A_9 = tpu.memref_slice %arg6[%mul3A_2] : memref<320000xf32, #tpu.memory_space<hbm>> -> memref<10000xf32, #tpu.memory_space<hbm>>
      tpu.enqueue_dma source(%arg11 : memref<10000xf32, #tpu.memory_space<vmem>>) target(%dma_start3A_9 : memref<10000xf32, #tpu.memory_space<hbm>>) target_semaphore(%run_scoped3A : memref<!tpu.dma_semaphore, #tpu.memory_space<semaphore_mem>>)
      %dma_wait3A = tpu.memref_slice %arg6[%mul3A_2] : memref<320000xf32, #tpu.memory_space<hbm>> -> memref<10000xf32, #tpu.memory_space<hbm>>
      %dma_wait3A_10 = tpu.memref_slice %arg6[%mul3A_2] : memref<320000xf32, #tpu.memory_space<hbm>> -> memref<10000xf32, #tpu.memory_space<hbm>>
      tpu.wait_dma2 semaphore(%run_scoped3A : memref<!tpu.dma_semaphore, #tpu.memory_space<semaphore_mem>>) src(%arg11 : memref<10000xf32, #tpu.memory_space<vmem>>) dst(%dma_wait3A_10 : memref<10000xf32, #tpu.memory_space<hbm>>)
      tpu.yield
    }) : () -> ()
    return
  }
}

#map = affine_map<(d0, d1) -> (0, 0)>
#map1 = affine_map<(d0, d1) -> (0, 0, 0)>
module attributes {stable_mosaic.version = 14 : i64} {
  func.func @_agg_kernel(%arg0: i32, %arg1: i32, %arg2: memref<10240x128xf32, #tpu.memory_space<hbm>>, %arg3: memref<2560x128xi32, #tpu.memory_space<hbm>>, %arg4: memref<2560x128xi32, #tpu.memory_space<hbm>>, %arg5: memref<640x128xf32, #tpu.memory_space<hbm>>, %arg6: memref<2x10240x128xf32, #tpu.memory_space<hbm>>, %arg7: memref<10240x128xf32, #tpu.memory_space<vmem_shared>>, %arg8: memref<80x128xi32, #tpu.memory_space<vmem>>, %arg9: memref<80x128xi32, #tpu.memory_space<vmem>>, %arg10: memref<128x128xf32, #tpu.memory_space<vmem>>, %arg11: memref<!tpu.dma_semaphore, #tpu.memory_space<semaphore_mem>>) attributes {dimension_semantics = [#tpu.dimension_semantics<core_parallel>, #tpu.dimension_semantics<subcore_parallel>], iteration_bounds = array<i64: 2, 16>, scalar_prefetch = 0 : i64, scratch_operands = 5 : i64, tpu.core_type = #tpu.core_type<sc_vector_subcore>, window_params = [{transform_indices = #map}, {transform_indices = #map}, {transform_indices = #map}, {transform_indices = #map}, {transform_indices = #map1}]} {
    %mul3A = arith.constant 2 : i32
    %mul3A_0 = arith.muli %arg1, %mul3A : i32
    %add3A = arith.addi %mul3A_0, %arg0 : i32
    %mul3A_1 = arith.constant 640 : i32
    %mul3A_2 = arith.muli %arg1, %mul3A_1 : i32
    "tpu.region"() ({
      %run_scoped3A = tpu.sem_alloc : memref<!tpu.dma_semaphore, #tpu.memory_space<semaphore_mem>>
      %dma_start3A = arith.constant 0 : i32
      %dma_start3A_17 = tpu.memref_slice %arg7[%mul3A_2, %dma_start3A] : memref<10240x128xf32, #tpu.memory_space<vmem_shared>> -> memref<640x128xf32, #tpu.memory_space<vmem_shared>>
      tpu.enqueue_dma source(%arg5 : memref<640x128xf32, #tpu.memory_space<hbm>>) target(%dma_start3A_17 : memref<640x128xf32, #tpu.memory_space<vmem_shared>>) target_semaphore(%run_scoped3A : memref<!tpu.dma_semaphore, #tpu.memory_space<semaphore_mem>>)
      %dma_wait3A = arith.constant 0 : i32
      %dma_wait3A_18 = tpu.memref_slice %arg7[%mul3A_2, %dma_wait3A] : memref<10240x128xf32, #tpu.memory_space<vmem_shared>> -> memref<640x128xf32, #tpu.memory_space<vmem_shared>>
      tpu.wait_dma2 semaphore(%run_scoped3A : memref<!tpu.dma_semaphore, #tpu.memory_space<semaphore_mem>>) src(%arg5 : memref<640x128xf32, #tpu.memory_space<hbm>>) dst(%dma_wait3A_18 : memref<640x128xf32, #tpu.memory_space<vmem_shared>>)
      tpu.yield
    }) : () -> ()
    %mul3A_3 = arith.constant 80 : i32
    %mul3A_4 = arith.muli %add3A, %mul3A_3 : i32
    "tpu.region"() ({
      %run_scoped3A = tpu.sem_alloc : memref<!tpu.dma_semaphore, #tpu.memory_space<semaphore_mem>>
      %dma_start3A = arith.constant 0 : i32
      %dma_start3A_17 = tpu.memref_slice %arg3[%mul3A_4, %dma_start3A] : memref<2560x128xi32, #tpu.memory_space<hbm>> -> memref<80x128xi32, #tpu.memory_space<hbm>>
      %dma_start3A_18 = arith.constant 0 : i32
      %dma_start3A_19 = tpu.memref_slice %arg3[%mul3A_4, %dma_start3A_18] : memref<2560x128xi32, #tpu.memory_space<hbm>> -> memref<80x128xi32, #tpu.memory_space<hbm>>
      tpu.enqueue_dma source(%dma_start3A_19 : memref<80x128xi32, #tpu.memory_space<hbm>>) target(%arg8 : memref<80x128xi32, #tpu.memory_space<vmem>>) target_semaphore(%run_scoped3A : memref<!tpu.dma_semaphore, #tpu.memory_space<semaphore_mem>>)
      %dma_wait3A = arith.constant 0 : i32
      %dma_wait3A_20 = tpu.memref_slice %arg3[%mul3A_4, %dma_wait3A] : memref<2560x128xi32, #tpu.memory_space<hbm>> -> memref<80x128xi32, #tpu.memory_space<hbm>>
      %dma_wait3A_21 = arith.constant 0 : i32
      %dma_wait3A_22 = tpu.memref_slice %arg3[%mul3A_4, %dma_wait3A_21] : memref<2560x128xi32, #tpu.memory_space<hbm>> -> memref<80x128xi32, #tpu.memory_space<hbm>>
      tpu.wait_dma2 semaphore(%run_scoped3A : memref<!tpu.dma_semaphore, #tpu.memory_space<semaphore_mem>>) src(%dma_wait3A_22 : memref<80x128xi32, #tpu.memory_space<hbm>>) dst(%arg8 : memref<80x128xi32, #tpu.memory_space<vmem>>)
      tpu.yield
    }) : () -> ()
    %mul3A_5 = arith.constant 80 : i32
    %mul3A_6 = arith.muli %add3A, %mul3A_5 : i32
    "tpu.region"() ({
      %run_scoped3A = tpu.sem_alloc : memref<!tpu.dma_semaphore, #tpu.memory_space<semaphore_mem>>
      %dma_start3A = arith.constant 0 : i32
      %dma_start3A_17 = tpu.memref_slice %arg4[%mul3A_6, %dma_start3A] : memref<2560x128xi32, #tpu.memory_space<hbm>> -> memref<80x128xi32, #tpu.memory_space<hbm>>
      %dma_start3A_18 = arith.constant 0 : i32
      %dma_start3A_19 = tpu.memref_slice %arg4[%mul3A_6, %dma_start3A_18] : memref<2560x128xi32, #tpu.memory_space<hbm>> -> memref<80x128xi32, #tpu.memory_space<hbm>>
      tpu.enqueue_dma source(%dma_start3A_19 : memref<80x128xi32, #tpu.memory_space<hbm>>) target(%arg9 : memref<80x128xi32, #tpu.memory_space<vmem>>) target_semaphore(%run_scoped3A : memref<!tpu.dma_semaphore, #tpu.memory_space<semaphore_mem>>)
      %dma_wait3A = arith.constant 0 : i32
      %dma_wait3A_20 = tpu.memref_slice %arg4[%mul3A_6, %dma_wait3A] : memref<2560x128xi32, #tpu.memory_space<hbm>> -> memref<80x128xi32, #tpu.memory_space<hbm>>
      %dma_wait3A_21 = arith.constant 0 : i32
      %dma_wait3A_22 = tpu.memref_slice %arg4[%mul3A_6, %dma_wait3A_21] : memref<2560x128xi32, #tpu.memory_space<hbm>> -> memref<80x128xi32, #tpu.memory_space<hbm>>
      tpu.wait_dma2 semaphore(%run_scoped3A : memref<!tpu.dma_semaphore, #tpu.memory_space<semaphore_mem>>) src(%dma_wait3A_22 : memref<80x128xi32, #tpu.memory_space<hbm>>) dst(%arg9 : memref<80x128xi32, #tpu.memory_space<vmem>>)
      tpu.yield
    }) : () -> ()
    %barrier3A = arith.constant 0 : index
    tpu.barrier barrier_id(%barrier3A)
    %scan3A = arith.constant 0 : i32
    %scan3A_7 = arith.constant 0 : i32
    %scan3A_8 = arith.constant 80 : i32
    %scan3A_9 = arith.addi %scan3A_7, %scan3A_8 : i32
    %scan3A_10 = arith.constant 1 : i32
    scf.for %scan3A_17 = %scan3A_7 to %scan3A_9 step %scan3A_10  : i32 {
      %dma_start3A = arith.constant 0 : i32
      %dma_start3A_18 = tpu.memref_slice %arg8[%scan3A_17, %dma_start3A] : memref<80x128xi32, #tpu.memory_space<vmem>> -> memref<1x128xi32, #tpu.memory_space<vmem>>
      %dma_start3A_19 = tpu.memref_squeeze %dma_start3A_18 : memref<1x128xi32, #tpu.memory_space<vmem>> -> memref<128xi32, #tpu.memory_space<vmem>>
      %dma_start3A_20 = arith.constant 0 : i32
      %dma_start3A_21 = arith.constant 0 : i32
      %dma_start3A_22 = tpu.memref_slice %arg2[%dma_start3A_20, %dma_start3A_21] : memref<10240x128xf32, #tpu.memory_space<hbm>> -> memref<10240x128xf32, #tpu.memory_space<hbm>>
      tpu.enqueue_indirect_dma source(%dma_start3A_22 : memref<10240x128xf32, #tpu.memory_space<hbm>>) target(%arg10 : memref<128x128xf32, #tpu.memory_space<vmem>>) offsets(%dma_start3A_19 : memref<128xi32, #tpu.memory_space<vmem>>) semaphore(%arg11 : memref<!tpu.dma_semaphore, #tpu.memory_space<semaphore_mem>>)
      %dma_wait3A = arith.constant 0 : i32
      %dma_wait3A_23 = tpu.memref_slice %arg8[%scan3A_17, %dma_wait3A] : memref<80x128xi32, #tpu.memory_space<vmem>> -> memref<1x128xi32, #tpu.memory_space<vmem>>
      %dma_wait3A_24 = tpu.memref_squeeze %dma_wait3A_23 : memref<1x128xi32, #tpu.memory_space<vmem>> -> memref<128xi32, #tpu.memory_space<vmem>>
      %dma_wait3A_25 = arith.constant 0 : i32
      %dma_wait3A_26 = arith.constant 0 : i32
      %dma_wait3A_27 = tpu.memref_slice %arg2[%dma_wait3A_25, %dma_wait3A_26] : memref<10240x128xf32, #tpu.memory_space<hbm>> -> memref<10240x128xf32, #tpu.memory_space<hbm>>
      tpu.wait_indirect_dma semaphore(%arg11 : memref<!tpu.dma_semaphore, #tpu.memory_space<semaphore_mem>>) src(%dma_wait3A_27 : memref<10240x128xf32, #tpu.memory_space<hbm>>) dst(%arg10 : memref<128x128xf32, #tpu.memory_space<vmem>>)
      "tpu.region"() ({
        %run_scoped3A = tpu.sem_alloc : memref<!tpu.dma_semaphore, #tpu.memory_space<semaphore_mem>>
        %dma_start3A_28 = arith.constant 0 : i32
        %dma_start3A_29 = tpu.memref_slice %arg9[%scan3A_17, %dma_start3A_28] : memref<80x128xi32, #tpu.memory_space<vmem>> -> memref<1x128xi32, #tpu.memory_space<vmem>>
        %dma_start3A_30 = tpu.memref_squeeze %dma_start3A_29 : memref<1x128xi32, #tpu.memory_space<vmem>> -> memref<128xi32, #tpu.memory_space<vmem>>
        %dma_start3A_31 = arith.constant 0 : i32
        %dma_start3A_32 = arith.constant 0 : i32
        %dma_start3A_33 = tpu.memref_slice %arg7[%dma_start3A_31, %dma_start3A_32] : memref<10240x128xf32, #tpu.memory_space<vmem_shared>> -> memref<10240x128xf32, #tpu.memory_space<vmem_shared>>
        tpu.enqueue_indirect_dma source(%arg10 : memref<128x128xf32, #tpu.memory_space<vmem>>) target(%dma_start3A_33 : memref<10240x128xf32, #tpu.memory_space<vmem_shared>>) offsets(%dma_start3A_30 : memref<128xi32, #tpu.memory_space<vmem>>) semaphore(%run_scoped3A : memref<!tpu.dma_semaphore, #tpu.memory_space<semaphore_mem>>) {add = true}
        %dma_wait3A_34 = arith.constant 0 : i32
        %dma_wait3A_35 = tpu.memref_slice %arg9[%scan3A_17, %dma_wait3A_34] : memref<80x128xi32, #tpu.memory_space<vmem>> -> memref<1x128xi32, #tpu.memory_space<vmem>>
        %dma_wait3A_36 = tpu.memref_squeeze %dma_wait3A_35 : memref<1x128xi32, #tpu.memory_space<vmem>> -> memref<128xi32, #tpu.memory_space<vmem>>
        %dma_wait3A_37 = arith.constant 0 : i32
        %dma_wait3A_38 = arith.constant 0 : i32
        %dma_wait3A_39 = tpu.memref_slice %arg7[%dma_wait3A_37, %dma_wait3A_38] : memref<10240x128xf32, #tpu.memory_space<vmem_shared>> -> memref<10240x128xf32, #tpu.memory_space<vmem_shared>>
        tpu.wait_indirect_dma semaphore(%run_scoped3A : memref<!tpu.dma_semaphore, #tpu.memory_space<semaphore_mem>>) src(%arg10 : memref<128x128xf32, #tpu.memory_space<vmem>>) dst(%dma_wait3A_39 : memref<10240x128xf32, #tpu.memory_space<vmem_shared>>)
        tpu.yield
      }) : () -> ()
    }
    %scan3A_11 = arith.constant 80 : i32
    %barrier3A_12 = arith.constant 0 : index
    tpu.barrier barrier_id(%barrier3A_12)
    %mul3A_13 = arith.constant 640 : i32
    %mul3A_14 = arith.muli %arg1, %mul3A_13 : i32
    %mul3A_15 = arith.constant 640 : i32
    %mul3A_16 = arith.muli %arg1, %mul3A_15 : i32
    "tpu.region"() ({
      %run_scoped3A = tpu.sem_alloc : memref<!tpu.dma_semaphore, #tpu.memory_space<semaphore_mem>>
      %dma_start3A = arith.constant 0 : i32
      %dma_start3A_17 = tpu.memref_slice %arg6[%arg0, %mul3A_16, %dma_start3A] : memref<2x10240x128xf32, #tpu.memory_space<hbm>> -> memref<1x640x128xf32, #tpu.memory_space<hbm>>
      %dma_start3A_18 = tpu.memref_squeeze %dma_start3A_17 : memref<1x640x128xf32, #tpu.memory_space<hbm>> -> memref<640x128xf32, #tpu.memory_space<hbm>>
      %dma_start3A_19 = arith.constant 0 : i32
      %dma_start3A_20 = tpu.memref_slice %arg7[%mul3A_14, %dma_start3A_19] : memref<10240x128xf32, #tpu.memory_space<vmem_shared>> -> memref<640x128xf32, #tpu.memory_space<vmem_shared>>
      tpu.enqueue_dma source(%dma_start3A_20 : memref<640x128xf32, #tpu.memory_space<vmem_shared>>) target(%dma_start3A_18 : memref<640x128xf32, #tpu.memory_space<hbm>>) target_semaphore(%run_scoped3A : memref<!tpu.dma_semaphore, #tpu.memory_space<semaphore_mem>>)
      %dma_wait3A = arith.constant 0 : i32
      %dma_wait3A_21 = tpu.memref_slice %arg6[%arg0, %mul3A_16, %dma_wait3A] : memref<2x10240x128xf32, #tpu.memory_space<hbm>> -> memref<1x640x128xf32, #tpu.memory_space<hbm>>
      %dma_wait3A_22 = tpu.memref_squeeze %dma_wait3A_21 : memref<1x640x128xf32, #tpu.memory_space<hbm>> -> memref<640x128xf32, #tpu.memory_space<hbm>>
      %dma_wait3A_23 = arith.constant 0 : i32
      %dma_wait3A_24 = tpu.memref_slice %arg7[%mul3A_14, %dma_wait3A_23] : memref<10240x128xf32, #tpu.memory_space<vmem_shared>> -> memref<640x128xf32, #tpu.memory_space<vmem_shared>>
      tpu.wait_dma2 semaphore(%run_scoped3A : memref<!tpu.dma_semaphore, #tpu.memory_space<semaphore_mem>>) src(%dma_wait3A_24 : memref<640x128xf32, #tpu.memory_space<vmem_shared>>) dst(%dma_wait3A_22 : memref<640x128xf32, #tpu.memory_space<hbm>>)
      tpu.yield
    }) : () -> ()
    return
  }
}

#map = affine_map<(d0, d1) -> (0)>
#map1 = affine_map<(d0, d1) -> (0, 0)>
module attributes {stable_mosaic.version = 14 : i64} {
  func.func @_deg_kernel(%arg0: i32, %arg1: i32, %arg2: memref<320000xi32, #tpu.memory_space<hbm>>, %arg3: memref<320000xi32, #tpu.memory_space<hbm>>, %arg4: memref<10000xf32, #tpu.memory_space<hbm>>, %arg5: memref<64x10000xf32, #tpu.memory_space<hbm>>, %arg6: memref<10000xf32, #tpu.memory_space<vmem>>, %arg7: memref<10000xf32, #tpu.memory_space<vmem>>, %arg8: memref<10000xi32, #tpu.memory_space<vmem>>, %arg9: memref<10000xi32, #tpu.memory_space<vmem>>) attributes {dimension_semantics = [#tpu.dimension_semantics<core_parallel>, #tpu.dimension_semantics<subcore_parallel>], iteration_bounds = array<i64: 2, 16>, scalar_prefetch = 0 : i64, scratch_operands = 4 : i64, tpu.core_type = #tpu.core_type<sc_vector_subcore>, window_params = [{transform_indices = #map}, {transform_indices = #map}, {transform_indices = #map}, {transform_indices = #map1}]} {
    %mul3A = arith.constant 2 : i32
    %mul3A_0 = arith.muli %arg1, %mul3A : i32
    %add3A = arith.addi %mul3A_0, %arg0 : i32
    %mul3A_1 = arith.constant 10000 : i32
    %mul3A_2 = arith.muli %add3A, %mul3A_1 : i32
    "tpu.region"() ({
      %run_scoped3A = tpu.sem_alloc : memref<!tpu.dma_semaphore, #tpu.memory_space<semaphore_mem>>
      tpu.enqueue_dma source(%arg4 : memref<10000xf32, #tpu.memory_space<hbm>>) target(%arg6 : memref<10000xf32, #tpu.memory_space<vmem>>) target_semaphore(%run_scoped3A : memref<!tpu.dma_semaphore, #tpu.memory_space<semaphore_mem>>)
      tpu.wait_dma2 semaphore(%run_scoped3A : memref<!tpu.dma_semaphore, #tpu.memory_space<semaphore_mem>>) src(%arg4 : memref<10000xf32, #tpu.memory_space<hbm>>) dst(%arg6 : memref<10000xf32, #tpu.memory_space<vmem>>)
      tpu.yield
    }) : () -> ()
    "tpu.region"() ({
      %run_scoped3A = tpu.sem_alloc : memref<!tpu.dma_semaphore, #tpu.memory_space<semaphore_mem>>
      tpu.enqueue_dma source(%arg4 : memref<10000xf32, #tpu.memory_space<hbm>>) target(%arg7 : memref<10000xf32, #tpu.memory_space<vmem>>) target_semaphore(%run_scoped3A : memref<!tpu.dma_semaphore, #tpu.memory_space<semaphore_mem>>)
      tpu.wait_dma2 semaphore(%run_scoped3A : memref<!tpu.dma_semaphore, #tpu.memory_space<semaphore_mem>>) src(%arg4 : memref<10000xf32, #tpu.memory_space<hbm>>) dst(%arg7 : memref<10000xf32, #tpu.memory_space<vmem>>)
      tpu.yield
    }) : () -> ()
    "tpu.region"() ({
      %run_scoped3A = tpu.sem_alloc : memref<!tpu.dma_semaphore, #tpu.memory_space<semaphore_mem>>
      %dma_start3A = tpu.memref_slice %arg2[%mul3A_2] : memref<320000xi32, #tpu.memory_space<hbm>> -> memref<10000xi32, #tpu.memory_space<hbm>>
      %dma_start3A_11 = tpu.memref_slice %arg2[%mul3A_2] : memref<320000xi32, #tpu.memory_space<hbm>> -> memref<10000xi32, #tpu.memory_space<hbm>>
      tpu.enqueue_dma source(%dma_start3A_11 : memref<10000xi32, #tpu.memory_space<hbm>>) target(%arg8 : memref<10000xi32, #tpu.memory_space<vmem>>) target_semaphore(%run_scoped3A : memref<!tpu.dma_semaphore, #tpu.memory_space<semaphore_mem>>)
      %dma_wait3A = tpu.memref_slice %arg2[%mul3A_2] : memref<320000xi32, #tpu.memory_space<hbm>> -> memref<10000xi32, #tpu.memory_space<hbm>>
      %dma_wait3A_12 = tpu.memref_slice %arg2[%mul3A_2] : memref<320000xi32, #tpu.memory_space<hbm>> -> memref<10000xi32, #tpu.memory_space<hbm>>
      tpu.wait_dma2 semaphore(%run_scoped3A : memref<!tpu.dma_semaphore, #tpu.memory_space<semaphore_mem>>) src(%dma_wait3A_12 : memref<10000xi32, #tpu.memory_space<hbm>>) dst(%arg8 : memref<10000xi32, #tpu.memory_space<vmem>>)
      tpu.yield
    }) : () -> ()
    "tpu.region"() ({
      %run_scoped3A = tpu.sem_alloc : memref<!tpu.dma_semaphore, #tpu.memory_space<semaphore_mem>>
      %dma_start3A = tpu.memref_slice %arg3[%mul3A_2] : memref<320000xi32, #tpu.memory_space<hbm>> -> memref<10000xi32, #tpu.memory_space<hbm>>
      %dma_start3A_11 = tpu.memref_slice %arg3[%mul3A_2] : memref<320000xi32, #tpu.memory_space<hbm>> -> memref<10000xi32, #tpu.memory_space<hbm>>
      tpu.enqueue_dma source(%dma_start3A_11 : memref<10000xi32, #tpu.memory_space<hbm>>) target(%arg9 : memref<10000xi32, #tpu.memory_space<vmem>>) target_semaphore(%run_scoped3A : memref<!tpu.dma_semaphore, #tpu.memory_space<semaphore_mem>>)
      %dma_wait3A = tpu.memref_slice %arg3[%mul3A_2] : memref<320000xi32, #tpu.memory_space<hbm>> -> memref<10000xi32, #tpu.memory_space<hbm>>
      %dma_wait3A_12 = tpu.memref_slice %arg3[%mul3A_2] : memref<320000xi32, #tpu.memory_space<hbm>> -> memref<10000xi32, #tpu.memory_space<hbm>>
      tpu.wait_dma2 semaphore(%run_scoped3A : memref<!tpu.dma_semaphore, #tpu.memory_space<semaphore_mem>>) src(%dma_wait3A_12 : memref<10000xi32, #tpu.memory_space<hbm>>) dst(%arg9 : memref<10000xi32, #tpu.memory_space<vmem>>)
      tpu.yield
    }) : () -> ()
    %broadcast_in_dim3A = arith.constant 1.000000e+00 : f32
    %broadcast_in_dim3A_3 = vector.broadcast %broadcast_in_dim3A : f32 to vector<16xf32>
    %scan3A = arith.constant 0 : i32
    %scan3A_4 = arith.constant 0 : i32
    %scan3A_5 = arith.constant 625 : i32
    %scan3A_6 = arith.addi %scan3A_4, %scan3A_5 : i32
    %scan3A_7 = arith.constant 1 : i32
    scf.for %scan3A_11 = %scan3A_4 to %scan3A_6 step %scan3A_7  : i32 {
      %mul3A_12 = arith.constant 16 : i32
      %mul3A_13 = arith.muli %scan3A_11, %mul3A_12 : i32
      %get3A = arith.index_cast %mul3A_13 : i32 to index
      %get3A_14 = tpu.vector_load %arg8[%get3A] {strides = array<i32>} : memref<10000xi32, #tpu.memory_space<vmem>>, vector<16xi32>,
      %mul3A_15 = arith.constant 16 : i32
      %mul3A_16 = arith.muli %scan3A_11, %mul3A_15 : i32
      %get3A_17 = arith.index_cast %mul3A_16 : i32 to index
      %get3A_18 = tpu.vector_load %arg9[%get3A_17] {strides = array<i32>} : memref<10000xi32, #tpu.memory_space<vmem>>, vector<16xi32>,
      tpu.vector_store_idx %arg6[%get3A_14], %broadcast_in_dim3A_3 {add = true} : memref<10000xf32, #tpu.memory_space<vmem>>[vector<16xi32>], vector<16xf32>,
      tpu.vector_store_idx %arg7[%get3A_18], %broadcast_in_dim3A_3 {add = true} : memref<10000xf32, #tpu.memory_space<vmem>>[vector<16xi32>], vector<16xf32>,
    }
    %scan3A_8 = arith.constant 625 : i32
    "tpu.region"() ({
      %run_scoped3A = tpu.sem_alloc : memref<!tpu.dma_semaphore, #tpu.memory_space<semaphore_mem>>
      %dma_start3A = arith.constant 0 : i32
      %dma_start3A_11 = tpu.memref_slice %arg5[%add3A, %dma_start3A] : memref<64x10000xf32, #tpu.memory_space<hbm>> -> memref<1x10000xf32, #tpu.memory_space<hbm>>
      %dma_start3A_12 = tpu.memref_squeeze %dma_start3A_11 : memref<1x10000xf32, #tpu.memory_space<hbm>> -> memref<10000xf32, #tpu.memory_space<hbm>>
      %dma_start3A_13 = arith.constant 0 : i32
      %dma_start3A_14 = tpu.memref_slice %arg5[%add3A, %dma_start3A_13] : memref<64x10000xf32, #tpu.memory_space<hbm>> -> memref<1x10000xf32, #tpu.memory_space<hbm>>
      %dma_start3A_15 = tpu.memref_squeeze %dma_start3A_14 : memref<1x10000xf32, #tpu.memory_space<hbm>> -> memref<10000xf32, #tpu.memory_space<hbm>>
      tpu.enqueue_dma source(%arg6 : memref<10000xf32, #tpu.memory_space<vmem>>) target(%dma_start3A_15 : memref<10000xf32, #tpu.memory_space<hbm>>) target_semaphore(%run_scoped3A : memref<!tpu.dma_semaphore, #tpu.memory_space<semaphore_mem>>)
      %dma_wait3A = arith.constant 0 : i32
      %dma_wait3A_16 = tpu.memref_slice %arg5[%add3A, %dma_wait3A] : memref<64x10000xf32, #tpu.memory_space<hbm>> -> memref<1x10000xf32, #tpu.memory_space<hbm>>
      %dma_wait3A_17 = tpu.memref_squeeze %dma_wait3A_16 : memref<1x10000xf32, #tpu.memory_space<hbm>> -> memref<10000xf32, #tpu.memory_space<hbm>>
      %dma_wait3A_18 = arith.constant 0 : i32
      %dma_wait3A_19 = tpu.memref_slice %arg5[%add3A, %dma_wait3A_18] : memref<64x10000xf32, #tpu.memory_space<hbm>> -> memref<1x10000xf32, #tpu.memory_space<hbm>>
      %dma_wait3A_20 = tpu.memref_squeeze %dma_wait3A_19 : memref<1x10000xf32, #tpu.memory_space<hbm>> -> memref<10000xf32, #tpu.memory_space<hbm>>
      tpu.wait_dma2 semaphore(%run_scoped3A : memref<!tpu.dma_semaphore, #tpu.memory_space<semaphore_mem>>) src(%arg6 : memref<10000xf32, #tpu.memory_space<vmem>>) dst(%dma_wait3A_20 : memref<10000xf32, #tpu.memory_space<hbm>>)
      tpu.yield
    }) : () -> ()
    %add3A_9 = arith.constant 32 : i32
    %add3A_10 = arith.addi %add3A_9, %add3A : i32
    "tpu.region"() ({
      %run_scoped3A = tpu.sem_alloc : memref<!tpu.dma_semaphore, #tpu.memory_space<semaphore_mem>>
      %dma_start3A = arith.constant 0 : i32
      %dma_start3A_11 = tpu.memref_slice %arg5[%add3A_10, %dma_start3A] : memref<64x10000xf32, #tpu.memory_space<hbm>> -> memref<1x10000xf32, #tpu.memory_space<hbm>>
      %dma_start3A_12 = tpu.memref_squeeze %dma_start3A_11 : memref<1x10000xf32, #tpu.memory_space<hbm>> -> memref<10000xf32, #tpu.memory_space<hbm>>
      %dma_start3A_13 = arith.constant 0 : i32
      %dma_start3A_14 = tpu.memref_slice %arg5[%add3A_10, %dma_start3A_13] : memref<64x10000xf32, #tpu.memory_space<hbm>> -> memref<1x10000xf32, #tpu.memory_space<hbm>>
      %dma_start3A_15 = tpu.memref_squeeze %dma_start3A_14 : memref<1x10000xf32, #tpu.memory_space<hbm>> -> memref<10000xf32, #tpu.memory_space<hbm>>
      tpu.enqueue_dma source(%arg7 : memref<10000xf32, #tpu.memory_space<vmem>>) target(%dma_start3A_15 : memref<10000xf32, #tpu.memory_space<hbm>>) target_semaphore(%run_scoped3A : memref<!tpu.dma_semaphore, #tpu.memory_space<semaphore_mem>>)
      %dma_wait3A = arith.constant 0 : i32
      %dma_wait3A_16 = tpu.memref_slice %arg5[%add3A_10, %dma_wait3A] : memref<64x10000xf32, #tpu.memory_space<hbm>> -> memref<1x10000xf32, #tpu.memory_space<hbm>>
      %dma_wait3A_17 = tpu.memref_squeeze %dma_wait3A_16 : memref<1x10000xf32, #tpu.memory_space<hbm>> -> memref<10000xf32, #tpu.memory_space<hbm>>
      %dma_wait3A_18 = arith.constant 0 : i32
      %dma_wait3A_19 = tpu.memref_slice %arg5[%add3A_10, %dma_wait3A_18] : memref<64x10000xf32, #tpu.memory_space<hbm>> -> memref<1x10000xf32, #tpu.memory_space<hbm>>
      %dma_wait3A_20 = tpu.memref_squeeze %dma_wait3A_19 : memref<1x10000xf32, #tpu.memory_space<hbm>> -> memref<10000xf32, #tpu.memory_space<hbm>>
      tpu.wait_dma2 semaphore(%run_scoped3A : memref<!tpu.dma_semaphore, #tpu.memory_space<semaphore_mem>>) src(%arg7 : memref<10000xf32, #tpu.memory_space<vmem>>) dst(%dma_wait3A_20 : memref<10000xf32, #tpu.memory_space<hbm>>)
      tpu.yield
    }) : () -> ()
    return
  }
}

#map = affine_map<(d0, d1) -> (0, 0)>
#map1 = affine_map<(d0, d1) -> (0, 0, 0)>
module attributes {stable_mosaic.version = 14 : i64} {
  func.func @_agg_kernel(%arg0: i32, %arg1: i32, %arg2: memref<10240x128xf32, #tpu.memory_space<hbm>>, %arg3: memref<2560x128xi32, #tpu.memory_space<hbm>>, %arg4: memref<2560x128xi32, #tpu.memory_space<hbm>>, %arg5: memref<640x128xf32, #tpu.memory_space<hbm>>, %arg6: memref<2x10240x128xf32, #tpu.memory_space<hbm>>, %arg7: memref<10240x128xf32, #tpu.memory_space<vmem_shared>>, %arg8: memref<80x128xi32, #tpu.memory_space<vmem>>, %arg9: memref<80x128xi32, #tpu.memory_space<vmem>>, %arg10: memref<128x128xf32, #tpu.memory_space<vmem>>, %arg11: memref<!tpu.dma_semaphore, #tpu.memory_space<semaphore_mem>>) attributes {dimension_semantics = [#tpu.dimension_semantics<core_parallel>, #tpu.dimension_semantics<subcore_parallel>], iteration_bounds = array<i64: 2, 16>, scalar_prefetch = 0 : i64, scratch_operands = 5 : i64, tpu.core_type = #tpu.core_type<sc_vector_subcore>, window_params = [{transform_indices = #map}, {transform_indices = #map}, {transform_indices = #map}, {transform_indices = #map}, {transform_indices = #map1}]} {
    %mul3A = arith.constant 2 : i32
    %mul3A_0 = arith.muli %arg1, %mul3A : i32
    %add3A = arith.addi %mul3A_0, %arg0 : i32
    %mul3A_1 = arith.constant 640 : i32
    %mul3A_2 = arith.muli %arg1, %mul3A_1 : i32
    "tpu.region"() ({
      %run_scoped3A = tpu.sem_alloc : memref<!tpu.dma_semaphore, #tpu.memory_space<semaphore_mem>>
      %dma_start3A = arith.constant 0 : i32
      %dma_start3A_17 = tpu.memref_slice %arg7[%mul3A_2, %dma_start3A] : memref<10240x128xf32, #tpu.memory_space<vmem_shared>> -> memref<640x128xf32, #tpu.memory_space<vmem_shared>>
      tpu.enqueue_dma source(%arg5 : memref<640x128xf32, #tpu.memory_space<hbm>>) target(%dma_start3A_17 : memref<640x128xf32, #tpu.memory_space<vmem_shared>>) target_semaphore(%run_scoped3A : memref<!tpu.dma_semaphore, #tpu.memory_space<semaphore_mem>>)
      %dma_wait3A = arith.constant 0 : i32
      %dma_wait3A_18 = tpu.memref_slice %arg7[%mul3A_2, %dma_wait3A] : memref<10240x128xf32, #tpu.memory_space<vmem_shared>> -> memref<640x128xf32, #tpu.memory_space<vmem_shared>>
      tpu.wait_dma2 semaphore(%run_scoped3A : memref<!tpu.dma_semaphore, #tpu.memory_space<semaphore_mem>>) src(%arg5 : memref<640x128xf32, #tpu.memory_space<hbm>>) dst(%dma_wait3A_18 : memref<640x128xf32, #tpu.memory_space<vmem_shared>>)
      tpu.yield
    }) : () -> ()
    %mul3A_3 = arith.constant 80 : i32
    %mul3A_4 = arith.muli %add3A, %mul3A_3 : i32
    "tpu.region"() ({
      %run_scoped3A = tpu.sem_alloc : memref<!tpu.dma_semaphore, #tpu.memory_space<semaphore_mem>>
      %dma_start3A = arith.constant 0 : i32
      %dma_start3A_17 = tpu.memref_slice %arg3[%mul3A_4, %dma_start3A] : memref<2560x128xi32, #tpu.memory_space<hbm>> -> memref<80x128xi32, #tpu.memory_space<hbm>>
      %dma_start3A_18 = arith.constant 0 : i32
      %dma_start3A_19 = tpu.memref_slice %arg3[%mul3A_4, %dma_start3A_18] : memref<2560x128xi32, #tpu.memory_space<hbm>> -> memref<80x128xi32, #tpu.memory_space<hbm>>
      tpu.enqueue_dma source(%dma_start3A_19 : memref<80x128xi32, #tpu.memory_space<hbm>>) target(%arg8 : memref<80x128xi32, #tpu.memory_space<vmem>>) target_semaphore(%run_scoped3A : memref<!tpu.dma_semaphore, #tpu.memory_space<semaphore_mem>>)
      %dma_wait3A = arith.constant 0 : i32
      %dma_wait3A_20 = tpu.memref_slice %arg3[%mul3A_4, %dma_wait3A] : memref<2560x128xi32, #tpu.memory_space<hbm>> -> memref<80x128xi32, #tpu.memory_space<hbm>>
      %dma_wait3A_21 = arith.constant 0 : i32
      %dma_wait3A_22 = tpu.memref_slice %arg3[%mul3A_4, %dma_wait3A_21] : memref<2560x128xi32, #tpu.memory_space<hbm>> -> memref<80x128xi32, #tpu.memory_space<hbm>>
      tpu.wait_dma2 semaphore(%run_scoped3A : memref<!tpu.dma_semaphore, #tpu.memory_space<semaphore_mem>>) src(%dma_wait3A_22 : memref<80x128xi32, #tpu.memory_space<hbm>>) dst(%arg8 : memref<80x128xi32, #tpu.memory_space<vmem>>)
      tpu.yield
    }) : () -> ()
    %mul3A_5 = arith.constant 80 : i32
    %mul3A_6 = arith.muli %add3A, %mul3A_5 : i32
    "tpu.region"() ({
      %run_scoped3A = tpu.sem_alloc : memref<!tpu.dma_semaphore, #tpu.memory_space<semaphore_mem>>
      %dma_start3A = arith.constant 0 : i32
      %dma_start3A_17 = tpu.memref_slice %arg4[%mul3A_6, %dma_start3A] : memref<2560x128xi32, #tpu.memory_space<hbm>> -> memref<80x128xi32, #tpu.memory_space<hbm>>
      %dma_start3A_18 = arith.constant 0 : i32
      %dma_start3A_19 = tpu.memref_slice %arg4[%mul3A_6, %dma_start3A_18] : memref<2560x128xi32, #tpu.memory_space<hbm>> -> memref<80x128xi32, #tpu.memory_space<hbm>>
      tpu.enqueue_dma source(%dma_start3A_19 : memref<80x128xi32, #tpu.memory_space<hbm>>) target(%arg9 : memref<80x128xi32, #tpu.memory_space<vmem>>) target_semaphore(%run_scoped3A : memref<!tpu.dma_semaphore, #tpu.memory_space<semaphore_mem>>)
      %dma_wait3A = arith.constant 0 : i32
      %dma_wait3A_20 = tpu.memref_slice %arg4[%mul3A_6, %dma_wait3A] : memref<2560x128xi32, #tpu.memory_space<hbm>> -> memref<80x128xi32, #tpu.memory_space<hbm>>
      %dma_wait3A_21 = arith.constant 0 : i32
      %dma_wait3A_22 = tpu.memref_slice %arg4[%mul3A_6, %dma_wait3A_21] : memref<2560x128xi32, #tpu.memory_space<hbm>> -> memref<80x128xi32, #tpu.memory_space<hbm>>
      tpu.wait_dma2 semaphore(%run_scoped3A : memref<!tpu.dma_semaphore, #tpu.memory_space<semaphore_mem>>) src(%dma_wait3A_22 : memref<80x128xi32, #tpu.memory_space<hbm>>) dst(%arg9 : memref<80x128xi32, #tpu.memory_space<vmem>>)
      tpu.yield
    }) : () -> ()
    %barrier3A = arith.constant 0 : index
    tpu.barrier barrier_id(%barrier3A)
    %scan3A = arith.constant 0 : i32
    %scan3A_7 = arith.constant 0 : i32
    %scan3A_8 = arith.constant 80 : i32
    %scan3A_9 = arith.addi %scan3A_7, %scan3A_8 : i32
    %scan3A_10 = arith.constant 1 : i32
    scf.for %scan3A_17 = %scan3A_7 to %scan3A_9 step %scan3A_10  : i32 {
      %dma_start3A = arith.constant 0 : i32
      %dma_start3A_18 = tpu.memref_slice %arg8[%scan3A_17, %dma_start3A] : memref<80x128xi32, #tpu.memory_space<vmem>> -> memref<1x128xi32, #tpu.memory_space<vmem>>
      %dma_start3A_19 = tpu.memref_squeeze %dma_start3A_18 : memref<1x128xi32, #tpu.memory_space<vmem>> -> memref<128xi32, #tpu.memory_space<vmem>>
      %dma_start3A_20 = arith.constant 0 : i32
      %dma_start3A_21 = arith.constant 0 : i32
      %dma_start3A_22 = tpu.memref_slice %arg2[%dma_start3A_20, %dma_start3A_21] : memref<10240x128xf32, #tpu.memory_space<hbm>> -> memref<10240x128xf32, #tpu.memory_space<hbm>>
      tpu.enqueue_indirect_dma source(%dma_start3A_22 : memref<10240x128xf32, #tpu.memory_space<hbm>>) target(%arg10 : memref<128x128xf32, #tpu.memory_space<vmem>>) offsets(%dma_start3A_19 : memref<128xi32, #tpu.memory_space<vmem>>) semaphore(%arg11 : memref<!tpu.dma_semaphore, #tpu.memory_space<semaphore_mem>>)
      %dma_wait3A = arith.constant 0 : i32
      %dma_wait3A_23 = tpu.memref_slice %arg8[%scan3A_17, %dma_wait3A] : memref<80x128xi32, #tpu.memory_space<vmem>> -> memref<1x128xi32, #tpu.memory_space<vmem>>
      %dma_wait3A_24 = tpu.memref_squeeze %dma_wait3A_23 : memref<1x128xi32, #tpu.memory_space<vmem>> -> memref<128xi32, #tpu.memory_space<vmem>>
      %dma_wait3A_25 = arith.constant 0 : i32
      %dma_wait3A_26 = arith.constant 0 : i32
      %dma_wait3A_27 = tpu.memref_slice %arg2[%dma_wait3A_25, %dma_wait3A_26] : memref<10240x128xf32, #tpu.memory_space<hbm>> -> memref<10240x128xf32, #tpu.memory_space<hbm>>
      tpu.wait_indirect_dma semaphore(%arg11 : memref<!tpu.dma_semaphore, #tpu.memory_space<semaphore_mem>>) src(%dma_wait3A_27 : memref<10240x128xf32, #tpu.memory_space<hbm>>) dst(%arg10 : memref<128x128xf32, #tpu.memory_space<vmem>>)
      "tpu.region"() ({
        %run_scoped3A = tpu.sem_alloc : memref<!tpu.dma_semaphore, #tpu.memory_space<semaphore_mem>>
        %dma_start3A_28 = arith.constant 0 : i32
        %dma_start3A_29 = tpu.memref_slice %arg9[%scan3A_17, %dma_start3A_28] : memref<80x128xi32, #tpu.memory_space<vmem>> -> memref<1x128xi32, #tpu.memory_space<vmem>>
        %dma_start3A_30 = tpu.memref_squeeze %dma_start3A_29 : memref<1x128xi32, #tpu.memory_space<vmem>> -> memref<128xi32, #tpu.memory_space<vmem>>
        %dma_start3A_31 = arith.constant 0 : i32
        %dma_start3A_32 = arith.constant 0 : i32
        %dma_start3A_33 = tpu.memref_slice %arg7[%dma_start3A_31, %dma_start3A_32] : memref<10240x128xf32, #tpu.memory_space<vmem_shared>> -> memref<10240x128xf32, #tpu.memory_space<vmem_shared>>
        tpu.enqueue_indirect_dma source(%arg10 : memref<128x128xf32, #tpu.memory_space<vmem>>) target(%dma_start3A_33 : memref<10240x128xf32, #tpu.memory_space<vmem_shared>>) offsets(%dma_start3A_30 : memref<128xi32, #tpu.memory_space<vmem>>) semaphore(%run_scoped3A : memref<!tpu.dma_semaphore, #tpu.memory_space<semaphore_mem>>) {add = true}
        %dma_wait3A_34 = arith.constant 0 : i32
        %dma_wait3A_35 = tpu.memref_slice %arg9[%scan3A_17, %dma_wait3A_34] : memref<80x128xi32, #tpu.memory_space<vmem>> -> memref<1x128xi32, #tpu.memory_space<vmem>>
        %dma_wait3A_36 = tpu.memref_squeeze %dma_wait3A_35 : memref<1x128xi32, #tpu.memory_space<vmem>> -> memref<128xi32, #tpu.memory_space<vmem>>
        %dma_wait3A_37 = arith.constant 0 : i32
        %dma_wait3A_38 = arith.constant 0 : i32
        %dma_wait3A_39 = tpu.memref_slice %arg7[%dma_wait3A_37, %dma_wait3A_38] : memref<10240x128xf32, #tpu.memory_space<vmem_shared>> -> memref<10240x128xf32, #tpu.memory_space<vmem_shared>>
        tpu.wait_indirect_dma semaphore(%run_scoped3A : memref<!tpu.dma_semaphore, #tpu.memory_space<semaphore_mem>>) src(%arg10 : memref<128x128xf32, #tpu.memory_space<vmem>>) dst(%dma_wait3A_39 : memref<10240x128xf32, #tpu.memory_space<vmem_shared>>)
        tpu.yield
      }) : () -> ()
    }
    %scan3A_11 = arith.constant 80 : i32
    %barrier3A_12 = arith.constant 0 : index
    tpu.barrier barrier_id(%barrier3A_12)
    %mul3A_13 = arith.constant 640 : i32
    %mul3A_14 = arith.muli %arg1, %mul3A_13 : i32
    %mul3A_15 = arith.constant 640 : i32
    %mul3A_16 = arith.muli %arg1, %mul3A_15 : i32
    "tpu.region"() ({
      %run_scoped3A = tpu.sem_alloc : memref<!tpu.dma_semaphore, #tpu.memory_space<semaphore_mem>>
      %dma_start3A = arith.constant 0 : i32
      %dma_start3A_17 = tpu.memref_slice %arg6[%arg0, %mul3A_16, %dma_start3A] : memref<2x10240x128xf32, #tpu.memory_space<hbm>> -> memref<1x640x128xf32, #tpu.memory_space<hbm>>
      %dma_start3A_18 = tpu.memref_squeeze %dma_start3A_17 : memref<1x640x128xf32, #tpu.memory_space<hbm>> -> memref<640x128xf32, #tpu.memory_space<hbm>>
      %dma_start3A_19 = arith.constant 0 : i32
      %dma_start3A_20 = tpu.memref_slice %arg7[%mul3A_14, %dma_start3A_19] : memref<10240x128xf32, #tpu.memory_space<vmem_shared>> -> memref<640x128xf32, #tpu.memory_space<vmem_shared>>
      tpu.enqueue_dma source(%dma_start3A_20 : memref<640x128xf32, #tpu.memory_space<vmem_shared>>) target(%dma_start3A_18 : memref<640x128xf32, #tpu.memory_space<hbm>>) target_semaphore(%run_scoped3A : memref<!tpu.dma_semaphore, #tpu.memory_space<semaphore_mem>>)
      %dma_wait3A = arith.constant 0 : i32
      %dma_wait3A_21 = tpu.memref_slice %arg6[%arg0, %mul3A_16, %dma_wait3A] : memref<2x10240x128xf32, #tpu.memory_space<hbm>> -> memref<1x640x128xf32, #tpu.memory_space<hbm>>
      %dma_wait3A_22 = tpu.memref_squeeze %dma_wait3A_21 : memref<1x640x128xf32, #tpu.memory_space<hbm>> -> memref<640x128xf32, #tpu.memory_space<hbm>>
      %dma_wait3A_23 = arith.constant 0 : i32
      %dma_wait3A_24 = tpu.memref_slice %arg7[%mul3A_14, %dma_wait3A_23] : memref<10240x128xf32, #tpu.memory_space<vmem_shared>> -> memref<640x128xf32, #tpu.memory_space<vmem_shared>>
      tpu.wait_dma2 semaphore(%run_scoped3A : memref<!tpu.dma_semaphore, #tpu.memory_space<semaphore_mem>>) src(%dma_wait3A_24 : memref<640x128xf32, #tpu.memory_space<vmem_shared>>) dst(%dma_wait3A_22 : memref<640x128xf32, #tpu.memory_space<hbm>>)
      tpu.yield
    }) : () -> ()
    return
  }
}

module attributes {stable_mosaic.version = 14 : i64} {
  func.func @_k2_body(%arg0: memref<64x10000xf32, #tpu.memory_space<vmem>>, %arg1: memref<10000x128xf32, #tpu.memory_space<vmem>>, %arg2: memref<128x128xf32, #tpu.memory_space<vmem>>, %arg3: memref<10240x128xf32, #tpu.memory_space<vmem>>) attributes {dimension_semantics = [], scalar_prefetch = 0 : i64, scratch_operands = 0 : i64, tpu.core_type = #tpu.core_type<tc>} {
    %get3A = arith.constant 0 : index
    %get3A_0 = arith.constant 0 : index
    %get3A_1 = vector.load %arg0[%get3A, %get3A_0] : memref<64x10000xf32, #tpu.memory_space<vmem>>, vector<64x10000xf32>
    %slice3A = vector.extract_strided_slice %get3A_1 {offsets = [0, 0], sizes = [32, 10000], strides = [1, 1]} : vector<64x10000xf32> to vector<32x10000xf32>
    %reduce_sum3A = arith.constant dense<0.000000e+00> : vector<10000xf32>
    %reduce_sum3A_2 = vector.multi_reduction <add>, %slice3A, %reduce_sum3A [0] : vector<32x10000xf32> to vector<10000xf32>
    %gt3A = arith.constant 0.000000e+00 : f32
    %gt3A_3 = vector.broadcast %gt3A : f32 to vector<10000xf32>
    %gt3A_4 = arith.cmpf ogt, %reduce_sum3A_2, %gt3A_3 : vector<10000xf32>
    %max3A = arith.constant 1.000000e+00 : f32
    %max3A_5 = vector.broadcast %max3A : f32 to vector<10000xf32>
    %max3A_6 = arith.maximumf %reduce_sum3A_2, %max3A_5 : vector<10000xf32>
    %sqrt3A = math.sqrt %max3A_6 : vector<10000xf32>
    %div3A = arith.constant 1.000000e+00 : f32
    %div3A_7 = vector.broadcast %div3A : f32 to vector<10000xf32>
    %div3A_8 = arith.divf %div3A_7, %sqrt3A : vector<10000xf32>
    %jit3A = arith.constant 0.000000e+00 : f32
    %broadcast_in_dim3A = vector.broadcast %jit3A : f32 to vector<10000xf32>
    %select_n3A = arith.select %gt3A_4, %div3A_8, %broadcast_in_dim3A : vector<10000xi1>, vector<10000xf32>
    %get3A_9 = arith.constant 0 : index
    %get3A_10 = arith.constant 0 : index
    %get3A_11 = vector.load %arg1[%get3A_9, %get3A_10] : memref<10000x128xf32, #tpu.memory_space<vmem>>, vector<10000x128xf32>
    %get3A_12 = arith.constant 0 : index
    %get3A_13 = arith.constant 0 : index
    %get3A_14 = vector.load %arg2[%get3A_12, %get3A_13] : memref<128x128xf32, #tpu.memory_space<vmem>>, vector<128x128xf32>
    %dot_general3A = arith.constant dense<0.000000e+00> : vector<10000x128xf32>
    %dot_general3A_15 = tpu.matmul %get3A_11, %get3A_14, %dot_general3A {dimension_numbers = #tpu.dot_dimension_numbers<[1], [0], [0], [1], [0, 0, 1, 1], [], []>, transpose_lhs_hint = false} : vector<10000x128xf32>, vector<128x128xf32>, vector<10000x128xf32> -> vector<10000x128xf32>
    %broadcast_in_dim3A_16 = vector.shape_cast %select_n3A : vector<10000xf32> to vector<10000x1xf32>
    %mul3A = vector.broadcast %broadcast_in_dim3A_16 : vector<10000x1xf32> to vector<10000x128xf32>
    %mul3A_17 = arith.mulf %dot_general3A_15, %mul3A : vector<10000x128xf32>
    %swap3A = arith.constant 0 : index
    %swap3A_18 = arith.constant 0 : index
    %swap3A_19 = vector.load %arg3[%swap3A, %swap3A_18] : memref<10240x128xf32, #tpu.memory_space<vmem>>, vector<10000x128xf32>
    tpu.vector_store %arg3[%swap3A, %swap3A_18], %mul3A_17 {strides = array<i32>} : memref<10240x128xf32, #tpu.memory_space<vmem>>, vector<10000x128xf32>,
    %broadcast_in_dim3A_20 = arith.constant 0.000000e+00 : f32
    %broadcast_in_dim3A_21 = vector.broadcast %broadcast_in_dim3A_20 : f32 to vector<240x128xf32>
    %swap3A_22 = arith.constant 10000 : index
    %swap3A_23 = arith.constant 0 : index
    %swap3A_24 = vector.load %arg3[%swap3A_22, %swap3A_23] : memref<10240x128xf32, #tpu.memory_space<vmem>>, vector<240x128xf32>
    tpu.vector_store %arg3[%swap3A_22, %swap3A_23], %broadcast_in_dim3A_21 {strides = array<i32>} : memref<10240x128xf32, #tpu.memory_space<vmem>>, vector<240x128xf32>,
    return
  }
}

module attributes {stable_mosaic.version = 14 : i64} {
  func.func @_k4_body(%arg0: memref<2x10240x128xf32, #tpu.memory_space<vmem>>, %arg1: memref<64x10000xf32, #tpu.memory_space<vmem>>, %arg2: memref<10000x128xf32, #tpu.memory_space<vmem>>, %arg3: memref<128x128xf32, #tpu.memory_space<vmem>>, %arg4: memref<1x128xf32, #tpu.memory_space<vmem>>, %arg5: memref<10240x128xf32, #tpu.memory_space<vmem>>) attributes {dimension_semantics = [], scalar_prefetch = 0 : i64, scratch_operands = 0 : i64, tpu.core_type = #tpu.core_type<tc>} {
    %get3A = arith.constant 0 : index
    %get3A_0 = arith.constant 0 : index
    %get3A_1 = arith.constant 0 : index
    %get3A_2 = vector.load %arg0[%get3A, %get3A_0, %get3A_1] : memref<2x10240x128xf32, #tpu.memory_space<vmem>>, vector<2x10240x128xf32>
    %get3A_3 = arith.constant 0 : index
    %get3A_4 = arith.constant 0 : index
    %get3A_5 = vector.load %arg1[%get3A_3, %get3A_4] : memref<64x10000xf32, #tpu.memory_space<vmem>>, vector<64x10000xf32>
    %slice3A = vector.extract_strided_slice %get3A_5 {offsets = [0, 0], sizes = [32, 10000], strides = [1, 1]} : vector<64x10000xf32> to vector<32x10000xf32>
    %reduce_sum3A = arith.constant dense<0.000000e+00> : vector<10000xf32>
    %reduce_sum3A_6 = vector.multi_reduction <add>, %slice3A, %reduce_sum3A [0] : vector<32x10000xf32> to vector<10000xf32>
    %gt3A = arith.constant 0.000000e+00 : f32
    %gt3A_7 = vector.broadcast %gt3A : f32 to vector<10000xf32>
    %gt3A_8 = arith.cmpf ogt, %reduce_sum3A_6, %gt3A_7 : vector<10000xf32>
    %max3A = arith.constant 1.000000e+00 : f32
    %max3A_9 = vector.broadcast %max3A : f32 to vector<10000xf32>
    %max3A_10 = arith.maximumf %reduce_sum3A_6, %max3A_9 : vector<10000xf32>
    %sqrt3A = math.sqrt %max3A_10 : vector<10000xf32>
    %div3A = arith.constant 1.000000e+00 : f32
    %div3A_11 = vector.broadcast %div3A : f32 to vector<10000xf32>
    %div3A_12 = arith.divf %div3A_11, %sqrt3A : vector<10000xf32>
    %jit3A = arith.constant 0.000000e+00 : f32
    %broadcast_in_dim3A = vector.broadcast %jit3A : f32 to vector<10000xf32>
    %select_n3A = arith.select %gt3A_8, %div3A_12, %broadcast_in_dim3A : vector<10000xi1>, vector<10000xf32>
    %slice3A_13 = vector.extract_strided_slice %get3A_5 {offsets = [32, 0], sizes = [32, 10000], strides = [1, 1]} : vector<64x10000xf32> to vector<32x10000xf32>
    %reduce_sum3A_14 = arith.constant dense<0.000000e+00> : vector<10000xf32>
    %reduce_sum3A_15 = vector.multi_reduction <add>, %slice3A_13, %reduce_sum3A_14 [0] : vector<32x10000xf32> to vector<10000xf32>
    %gt3A_16 = arith.constant 0.000000e+00 : f32
    %gt3A_17 = vector.broadcast %gt3A_16 : f32 to vector<10000xf32>
    %gt3A_18 = arith.cmpf ogt, %reduce_sum3A_15, %gt3A_17 : vector<10000xf32>
    %max3A_19 = arith.constant 1.000000e+00 : f32
    %max3A_20 = vector.broadcast %max3A_19 : f32 to vector<10000xf32>
    %max3A_21 = arith.maximumf %reduce_sum3A_15, %max3A_20 : vector<10000xf32>
    %sqrt3A_22 = math.sqrt %max3A_21 : vector<10000xf32>
    %div3A_23 = arith.constant 1.000000e+00 : f32
    %div3A_24 = vector.broadcast %div3A_23 : f32 to vector<10000xf32>
    %div3A_25 = arith.divf %div3A_24, %sqrt3A_22 : vector<10000xf32>
    %jit3A_26 = arith.constant 0.000000e+00 : f32
    %broadcast_in_dim3A_27 = vector.broadcast %jit3A_26 : f32 to vector<10000xf32>
    %select_n3A_28 = arith.select %gt3A_18, %div3A_25, %broadcast_in_dim3A_27 : vector<10000xi1>, vector<10000xf32>
    %slice3A_29 = vector.extract_strided_slice %get3A_2 {offsets = [0, 0, 0], sizes = [1, 10000, 128], strides = [1, 1, 1]} : vector<2x10240x128xf32> to vector<1x10000x128xf32>
    %squeeze3A = vector.shape_cast %slice3A_29 : vector<1x10000x128xf32> to vector<10000x128xf32>
    %slice3A_30 = vector.extract_strided_slice %get3A_2 {offsets = [1, 0, 0], sizes = [1, 10000, 128], strides = [1, 1, 1]} : vector<2x10240x128xf32> to vector<1x10000x128xf32>
    %squeeze3A_31 = vector.shape_cast %slice3A_30 : vector<1x10000x128xf32> to vector<10000x128xf32>
    %add3A = arith.addf %squeeze3A, %squeeze3A_31 : vector<10000x128xf32>
    %broadcast_in_dim3A_32 = vector.shape_cast %select_n3A_28 : vector<10000xf32> to vector<10000x1xf32>
    %mul3A = vector.broadcast %broadcast_in_dim3A_32 : vector<10000x1xf32> to vector<10000x128xf32>
    %mul3A_33 = arith.mulf %add3A, %mul3A : vector<10000x128xf32>
    %get3A_34 = arith.constant 0 : index
    %get3A_35 = arith.constant 0 : index
    %get3A_36 = vector.load %arg4[%get3A_34, %get3A_35] : memref<1x128xf32, #tpu.memory_space<vmem>>, vector<1x128xf32>
    %add3A_37 = vector.broadcast %get3A_36 : vector<1x128xf32> to vector<10000x128xf32>
    %add3A_38 = arith.addf %mul3A_33, %add3A_37 : vector<10000x128xf32>
    %get3A_39 = arith.constant 0 : index
    %get3A_40 = arith.constant 0 : index
    %get3A_41 = vector.load %arg2[%get3A_39, %get3A_40] : memref<10000x128xf32, #tpu.memory_space<vmem>>, vector<10000x128xf32>
    %mul3A_42 = arith.constant 1.000000e-01 : f32
    %mul3A_43 = vector.broadcast %mul3A_42 : f32 to vector<10000x128xf32>
    %mul3A_44 = arith.mulf %mul3A_43, %get3A_41 : vector<10000x128xf32>
    %add3A_45 = arith.addf %add3A_38, %mul3A_44 : vector<10000x128xf32>
    %max3A_46 = arith.constant 0.000000e+00 : f32
    %max3A_47 = vector.broadcast %max3A_46 : f32 to vector<10000x128xf32>
    %max3A_48 = arith.maximumf %add3A_45, %max3A_47 : vector<10000x128xf32>
    %get3A_49 = arith.constant 0 : index
    %get3A_50 = arith.constant 0 : index
    %get3A_51 = vector.load %arg3[%get3A_49, %get3A_50] : memref<128x128xf32, #tpu.memory_space<vmem>>, vector<128x128xf32>
    %dot_general3A = arith.constant dense<0.000000e+00> : vector<10000x128xf32>
    %dot_general3A_52 = tpu.matmul %max3A_48, %get3A_51, %dot_general3A {dimension_numbers = #tpu.dot_dimension_numbers<[1], [0], [0], [1], [0, 0, 1, 1], [], []>, transpose_lhs_hint = false} : vector<10000x128xf32>, vector<128x128xf32>, vector<10000x128xf32> -> vector<10000x128xf32>
    %broadcast_in_dim3A_53 = vector.shape_cast %select_n3A : vector<10000xf32> to vector<10000x1xf32>
    %mul3A_54 = vector.broadcast %broadcast_in_dim3A_53 : vector<10000x1xf32> to vector<10000x128xf32>
    %mul3A_55 = arith.mulf %dot_general3A_52, %mul3A_54 : vector<10000x128xf32>
    %swap3A = arith.constant 0 : index
    %swap3A_56 = arith.constant 0 : index
    %swap3A_57 = vector.load %arg5[%swap3A, %swap3A_56] : memref<10240x128xf32, #tpu.memory_space<vmem>>, vector<10000x128xf32>
    tpu.vector_store %arg5[%swap3A, %swap3A_56], %mul3A_55 {strides = array<i32>} : memref<10240x128xf32, #tpu.memory_space<vmem>>, vector<10000x128xf32>,
    %broadcast_in_dim3A_58 = arith.constant 0.000000e+00 : f32
    %broadcast_in_dim3A_59 = vector.broadcast %broadcast_in_dim3A_58 : f32 to vector<240x128xf32>
    %swap3A_60 = arith.constant 10000 : index
    %swap3A_61 = arith.constant 0 : index
    %swap3A_62 = vector.load %arg5[%swap3A_60, %swap3A_61] : memref<10240x128xf32, #tpu.memory_space<vmem>>, vector<240x128xf32>
    tpu.vector_store %arg5[%swap3A_60, %swap3A_61], %broadcast_in_dim3A_59 {strides = array<i32>} : memref<10240x128xf32, #tpu.memory_space<vmem>>, vector<240x128xf32>,
    return
  }
}

module attributes {stable_mosaic.version = 14 : i64} {
  func.func @_k6_body(%arg0: memref<2x10240x128xf32, #tpu.memory_space<vmem>>, %arg1: memref<64x10000xf32, #tpu.memory_space<vmem>>, %arg2: memref<10000x128xf32, #tpu.memory_space<vmem>>, %arg3: memref<1x128xf32, #tpu.memory_space<vmem>>, %arg4: memref<128x1xf32, #tpu.memory_space<vmem>>, %arg5: memref<128x1xf32, #tpu.memory_space<vmem>>, %arg6: memref<1x1xf32, #tpu.memory_space<vmem>>, %arg7: memref<10000x128xf32, #tpu.memory_space<vmem>>, %arg8: memref<10000x1xf32, #tpu.memory_space<vmem>>, %arg9: memref<10000x1xf32, #tpu.memory_space<vmem>>) attributes {dimension_semantics = [], scalar_prefetch = 0 : i64, scratch_operands = 0 : i64, tpu.core_type = #tpu.core_type<tc>} {
    %get3A = arith.constant 0 : index
    %get3A_0 = arith.constant 0 : index
    %get3A_1 = arith.constant 0 : index
    %get3A_2 = vector.load %arg0[%get3A, %get3A_0, %get3A_1] : memref<2x10240x128xf32, #tpu.memory_space<vmem>>, vector<2x10240x128xf32>
    %get3A_3 = arith.constant 0 : index
    %get3A_4 = arith.constant 0 : index
    %get3A_5 = vector.load %arg1[%get3A_3, %get3A_4] : memref<64x10000xf32, #tpu.memory_space<vmem>>, vector<64x10000xf32>
    %slice3A = vector.extract_strided_slice %get3A_5 {offsets = [32, 0], sizes = [32, 10000], strides = [1, 1]} : vector<64x10000xf32> to vector<32x10000xf32>
    %reduce_sum3A = arith.constant dense<0.000000e+00> : vector<10000xf32>
    %reduce_sum3A_6 = vector.multi_reduction <add>, %slice3A, %reduce_sum3A [0] : vector<32x10000xf32> to vector<10000xf32>
    %gt3A = arith.constant 0.000000e+00 : f32
    %gt3A_7 = vector.broadcast %gt3A : f32 to vector<10000xf32>
    %gt3A_8 = arith.cmpf ogt, %reduce_sum3A_6, %gt3A_7 : vector<10000xf32>
    %max3A = arith.constant 1.000000e+00 : f32
    %max3A_9 = vector.broadcast %max3A : f32 to vector<10000xf32>
    %max3A_10 = arith.maximumf %reduce_sum3A_6, %max3A_9 : vector<10000xf32>
    %sqrt3A = math.sqrt %max3A_10 : vector<10000xf32>
    %div3A = arith.constant 1.000000e+00 : f32
    %div3A_11 = vector.broadcast %div3A : f32 to vector<10000xf32>
    %div3A_12 = arith.divf %div3A_11, %sqrt3A : vector<10000xf32>
    %jit3A = arith.constant 0.000000e+00 : f32
    %broadcast_in_dim3A = vector.broadcast %jit3A : f32 to vector<10000xf32>
    %select_n3A = arith.select %gt3A_8, %div3A_12, %broadcast_in_dim3A : vector<10000xi1>, vector<10000xf32>
    %slice3A_13 = vector.extract_strided_slice %get3A_2 {offsets = [0, 0, 0], sizes = [1, 10000, 128], strides = [1, 1, 1]} : vector<2x10240x128xf32> to vector<1x10000x128xf32>
    %squeeze3A = vector.shape_cast %slice3A_13 : vector<1x10000x128xf32> to vector<10000x128xf32>
    %slice3A_14 = vector.extract_strided_slice %get3A_2 {offsets = [1, 0, 0], sizes = [1, 10000, 128], strides = [1, 1, 1]} : vector<2x10240x128xf32> to vector<1x10000x128xf32>
    %squeeze3A_15 = vector.shape_cast %slice3A_14 : vector<1x10000x128xf32> to vector<10000x128xf32>
    %add3A = arith.addf %squeeze3A, %squeeze3A_15 : vector<10000x128xf32>
    %broadcast_in_dim3A_16 = vector.shape_cast %select_n3A : vector<10000xf32> to vector<10000x1xf32>
    %mul3A = vector.broadcast %broadcast_in_dim3A_16 : vector<10000x1xf32> to vector<10000x128xf32>
    %mul3A_17 = arith.mulf %add3A, %mul3A : vector<10000x128xf32>
    %get3A_18 = arith.constant 0 : index
    %get3A_19 = arith.constant 0 : index
    %get3A_20 = vector.load %arg3[%get3A_18, %get3A_19] : memref<1x128xf32, #tpu.memory_space<vmem>>, vector<1x128xf32>
    %add3A_21 = vector.broadcast %get3A_20 : vector<1x128xf32> to vector<10000x128xf32>
    %add3A_22 = arith.addf %mul3A_17, %add3A_21 : vector<10000x128xf32>
    %get3A_23 = arith.constant 0 : index
    %get3A_24 = arith.constant 0 : index
    %get3A_25 = vector.load %arg2[%get3A_23, %get3A_24] : memref<10000x128xf32, #tpu.memory_space<vmem>>, vector<10000x128xf32>
    %mul3A_26 = arith.constant 1.000000e-01 : f32
    %mul3A_27 = vector.broadcast %mul3A_26 : f32 to vector<10000x128xf32>
    %mul3A_28 = arith.mulf %mul3A_27, %get3A_25 : vector<10000x128xf32>
    %add3A_29 = arith.addf %add3A_22, %mul3A_28 : vector<10000x128xf32>
    %swap3A = arith.constant 0 : index
    %swap3A_30 = arith.constant 0 : index
    %swap3A_31 = vector.load %arg7[%swap3A, %swap3A_30] : memref<10000x128xf32, #tpu.memory_space<vmem>>, vector<10000x128xf32>
    tpu.vector_store %arg7[%swap3A, %swap3A_30], %add3A_29 {strides = array<i32>} : memref<10000x128xf32, #tpu.memory_space<vmem>>, vector<10000x128xf32>,
    %get3A_32 = arith.constant 0 : index
    %get3A_33 = arith.constant 0 : index
    %get3A_34 = vector.load %arg4[%get3A_32, %get3A_33] : memref<128x1xf32, #tpu.memory_space<vmem>>, vector<128x1xf32>
    %dot_general3A = arith.constant dense<0.000000e+00> : vector<10000x1xf32>
    %dot_general3A_35 = tpu.matmul %add3A_29, %get3A_34, %dot_general3A {dimension_numbers = #tpu.dot_dimension_numbers<[1], [0], [0], [1], [0, 0, 1, 1], [], []>, transpose_lhs_hint = false} : vector<10000x128xf32>, vector<128x1xf32>, vector<10000x1xf32> -> vector<10000x1xf32>
    %get3A_36 = arith.constant 0 : index
    %get3A_37 = arith.constant 0 : index
    %get3A_38 = vector.load %arg6[%get3A_36, %get3A_37] : memref<1x1xf32, #tpu.memory_space<vmem>>, vector<1x1xf32>
    %get3A_39 = vector.extract %get3A_38[0, 0] : f32 from vector<1x1xf32>
    %add3A_40 = vector.broadcast %get3A_39 : f32 to vector<10000x1xf32>
    %add3A_41 = arith.addf %dot_general3A_35, %add3A_40 : vector<10000x1xf32>
    %swap3A_42 = arith.constant 0 : index
    %swap3A_43 = arith.constant 0 : index
    %swap3A_44 = vector.load %arg8[%swap3A_42, %swap3A_43] : memref<10000x1xf32, #tpu.memory_space<vmem>>, vector<10000x1xf32>
    tpu.vector_store %arg8[%swap3A_42, %swap3A_43], %add3A_41 {strides = array<i32>} : memref<10000x1xf32, #tpu.memory_space<vmem>>, vector<10000x1xf32>,
    %get3A_45 = arith.constant 0 : index
    %get3A_46 = arith.constant 0 : index
    %get3A_47 = vector.load %arg5[%get3A_45, %get3A_46] : memref<128x1xf32, #tpu.memory_space<vmem>>, vector<128x1xf32>
    %dot_general3A_48 = arith.constant dense<0.000000e+00> : vector<10000x1xf32>
    %dot_general3A_49 = tpu.matmul %add3A_29, %get3A_47, %dot_general3A_48 {dimension_numbers = #tpu.dot_dimension_numbers<[1], [0], [0], [1], [0, 0, 1, 1], [], []>, transpose_lhs_hint = false} : vector<10000x128xf32>, vector<128x1xf32>, vector<10000x1xf32> -> vector<10000x1xf32>
    %swap3A_50 = arith.constant 0 : index
    %swap3A_51 = arith.constant 0 : index
    %swap3A_52 = vector.load %arg9[%swap3A_50, %swap3A_51] : memref<10000x1xf32, #tpu.memory_space<vmem>>, vector<10000x1xf32>
    tpu.vector_store %arg9[%swap3A_50, %swap3A_51], %dot_general3A_49 {strides = array<i32>} : memref<10000x1xf32, #tpu.memory_space<vmem>>, vector<10000x1xf32>,
    return
  }
}

</mosaic_0001>

<sc_bundles>
// kernel: kernel.12.cloned.1.call-start
scs
__scs_entry_jumppad:
0x0: {  	(pc) =	sbr.rel $0x88, $3  }
0x1: {  	(tag) =	ssettag $0x0;
	lr =	simm.s32 $0x1  }
0x2: {  	[smem:$0x3F98] =	sst lr;
	_ =	strace $0xD0000000  }
0x3: {  	_ = 	snop  }
0x4: {  	_ = 	snop  }
0x5: {  	_ = 	snop  }
0x6: {  	_ = 	snop  }
0x7: {  	_ = 	snop  }
__scs_overlays_trampoline_lowered:
0x8: {  	[smem:$0x3FA7] =	sst s0  }
0x9: {  	[smem:$0x3FA8] =	sst s1  }
0xa: {  	[smem:$0x3FA9] =	sst s2  }
0xb: {  	[smem:$0x3FAA] =	sst s3  }
0xc: {  	[smem:$0x3FAB] =	sst s4  }
0xd: {  	[smem:$0x3FAC] =	sst s5  }
0xe: {  	[smem:$0x3FAD] =	sst s6  }
0xf: {  	[smem:$0x3FAE] =	sst s7  }
0x10: {  	[smem:$0x3FAF] =	sst s8  }
0x11: {  	[smem:$0x3FB0] =	sst s9;
	s0 =	simm.s32 @!p0 $0x0  }
0x12: {  	s1 =	sld [smem:$0x3F96];
	s0 =	simm.s32 @p0 $0x1  }
0x13: {  	[smem:$0x3FB1] =	sst s0;
	s0 =	simm.s32 @!p1 $0x0  }
0x14: {  	s2 =	sld [smem:$0x3F95];
	s0 =	simm.s32 @p1 $0x1  }
0x15: {  	[smem:$0x3FB2] =	sst s0;
	s0 =	simm.s32 @!p2 $0x0  }
0x16: {  	s3 =	sld [smem:$0x3FDB];
	s0 =	simm.s32 @p2 $0x1  }
0x17: {  	s4 =	simm.s32 $0x1BF5;
	[smem:$0x3FB4] =	sst s0  }
0x18: {  	s0 =	sld [smem:$0x3F97];
	_ =	swait.ge [sflag:s4], $0x0  }
0x19: {  	s7 =	sld [smem:$0x3F98]  }
0x1a: {  	s8 =	sadd.s32 $0xFFFFE003, lr  }
0x1b: {  	s9 =	sadd.s32 $0xFFFFFEF7, lr;
	s5 =	simm.s32 $0xFFFFFFFF;
	p2 =	slt.u32 s8, $0xFFFFF086  }
0x1c: {  	p1 =	slt.u32 s9, $0xF7A;
	s5 =	simm.s32 @!p2 $0x0  }
0x1d: {  	s5 =	simm.s32 @p1 $0x1;
	p0 =	seq.s32 s7, s2  }
0x1e: {  	s7 =	smul.u32 @!p0 $0xF7A, s2;
	p2 =	seq.s32 @!p0 s5, $0x0  }
0x1f: {  	s9 =	smul.u32 $0xF7A, s1;
	s8 =	simm.s32 @!p0 $0x1BF5;
	p2 =	por !p2, p0  }
0x20: {  	[sflag:s8] =	ssyncset.s32 @!p0 $0xFFFFF086;
	s6 =	sadd.s32 @!p0 s3, s7;
	s7 =	simm.s32 @!p0 $0x108  }
0x21: {  	s3 =	sadd.s32 s3, s9;
	s6 =	sadd.s32 @!p0 $0x88, s6;
	s7 =	simm.s32 @p2 $0x1082  }
0x22: {  	[simem:s7], [sflag:s8] =	dma.local @!p0 [hbm:s6], $0xF7A  }
0x23: {  	s9 =	sor.u32 $0xD0000000, s2;
	s6 =	simm.s32 $0x108;
	_ =	swait.ge @!p0 [sflag:s8], $0x0  }
0x24: {  	s3 =	sadd.s32 $0x88, s3;
	s6 =	simm.s32 @!p1 $0x1082;
	[sflag:s4] =	ssyncset.s32 $0xFFFFF086  }
0x25: {  	[simem:s6], [sflag:s4] =	dma.local [hbm:s3], $0xF7A  }
0x26: {  	[smem:$0x3F98] =	sst s1;
	(tag) =	ssettag s2;
	_ =	strace s9  }
0x27: {  	s1 =	sld [smem:$0x3FA8]  }
0x28: {  	s2 =	sld [smem:$0x3FA9]  }
0x29: {  	s4 =	sld [smem:$0x3FAB]  }
0x2a: {  	p0 =	seq.s32 s5, $0x0;
	s5 =	sld [smem:$0x3FAC]  }
0x2b: {  	s6 =	sld [smem:$0x3FAD]  }
0x2c: {  	s7 =	sld [smem:$0x3FAE]  }
0x2d: {  	s3 =	simm.s32 $0x108;
	s8 =	sld [smem:$0x3FAF]  }
0x2e: {  	s3 =	simm.s32 @!p0 $0x1082;
	s9 =	sld [smem:$0x3FB0]  }
0x2f: {  	lr =	sadd.s32 s0, s3;
	s0 =	sld [smem:$0x3FA7]  }
0x30: {  	s3 =	sld [smem:$0x3FAA]  }
0x31: {  	[smem:$0x3FB3] =	sst s10  }
0x32: {  	s10 =	sld [smem:$0x3FB1];
	_ =	sdelay $0x3  }
0x33: {  	p0 =	seq.s32 s10, $0x1;
	s10 =	sld [smem:$0x3FB3];
	_ =	sdelay $0x3  }
0x34: {  	[smem:$0x3FB3] =	sst s10  }
0x35: {  	s10 =	sld [smem:$0x3FB2];
	_ =	sdelay $0x3  }
0x36: {  	p1 =	seq.s32 s10, $0x1;
	s10 =	sld [smem:$0x3FB3];
	_ =	sdelay $0x3  }
0x37: {  	[smem:$0x3FB3] =	sst s10  }
0x38: {  	s10 =	sld [smem:$0x3FB4]  }
0x39: {  	_ = 	snop;
	(pc) =	sbr.ind lr, $3  }
0x3a: {  	_ = 	snop  }
0x3b: {  	_ = 	snop  }
0x3c: {  	p2 =	seq.s32 s10, $0x1;
	s10 =	sld [smem:$0x3FB3]  }
0x3d: {  	_ =	shalt  }
0x3e: {  	_ =	shalt  }
0x3f: {  	_ =	shalt  }
0x40: {  	_ =	shalt  }
0x41: {  	_ =	shalt  }
0x42: {  	_ =	shalt  }
0x43: {  	_ =	shalt  }
0x44: {  	_ =	shalt  }
0x45: {  	_ =	shalt  }
0x46: {  	_ =	shalt  }
0x47: {  	_ =	shalt  }
0x48: {  	_ =	shalt  }
0x49: {  	_ =	shalt  }
0x4a: {  	_ =	shalt  }
0x4b: {  	_ =	shalt  }
0x4c: {  	_ =	shalt  }
0x4d: {  	_ =	shalt  }
0x4e: {  	_ =	shalt  }
0x4f: {  	_ =	shalt  }
0x50: {  	_ =	shalt  }
0x51: {  	_ =	shalt  }
0x52: {  	_ =	shalt  }
0x53: {  	_ =	shalt  }
0x54: {  	_ =	shalt  }
0x55: {  	_ =	shalt  }
0x56: {  	_ =	shalt  }
0x57: {  	_ =	shalt  }
0x58: {  	_ =	shalt  }
0x59: {  	_ =	shalt  }
0x5a: {  	_ =	shalt  }
0x5b: {  	_ =	shalt  }
0x5c: {  	_ =	shalt  }
0x5d: {  	_ =	shalt  }
0x5e: {  	_ =	shalt  }
0x5f: {  	_ =	shalt  }
0x60: {  	_ =	shalt  }
0x61: {  	_ =	shalt  }
0x62: {  	_ =	shalt  }
0x63: {  	_ =	shalt  }
0x64: {  	_ =	shalt  }
0x65: {  	_ =	shalt  }
0x66: {  	_ =	shalt  }
0x67: {  	_ =	shalt  }
0x68: {  	_ =	shalt  }
0x69: {  	_ =	shalt  }
0x6a: {  	_ =	shalt  }
0x6b: {  	_ =	shalt  }
0x6c: {  	_ =	shalt  }
0x6d: {  	_ =	shalt  }
0x6e: {  	_ =	shalt  }
0x6f: {  	_ =	shalt  }
0x70: {  	_ =	shalt  }
0x71: {  	_ =	shalt  }
0x72: {  	_ =	shalt  }
0x73: {  	_ =	shalt  }
0x74: {  	_ =	shalt  }
0x75: {  	_ =	shalt  }
0x76: {  	_ =	shalt  }
0x77: {  	_ =	shalt  }
0x78: {  	_ =	shalt  }
0x79: {  	_ =	shalt  }
0x7a: {  	_ =	shalt  }
0x7b: {  	_ =	shalt  }
0x7c: {  	_ =	shalt  }
0x7d: {  	_ =	shalt  }
0x7e: {  	_ =	shalt  }
0x7f: {  	_ =	shalt  }
0x80: {  	_ =	shalt  }
0x81: {  	_ =	shalt  }
0x82: {  	_ =	shalt  }
0x83: {  	_ =	shalt  }
0x84: {  	_ =	shalt  }
0x85: {  	_ =	shalt  }
0x86: {  	_ =	shalt  }
0x87: {  	_ =	shalt  }
.Lfunc_end0:
.L_simem_size_0:
called_computation.1_lowered:
.L_overlay_start_0:
0x88: {  	s2 =	sld [smem:$0x3FD9]  }
0x89: {  	s3 =	sld [smem:$0x3FFE];
	_ =	sdelay $0x1  }
0x8a: {  	s1 =	srdreg.scid  }
0x8b: {  	s0 =	sand.u32 $0x1, s1  }
0x8c: {  	s14 =	sshll.u32 s0, $0xA;
	s2 =	sadd.s32 s3, s2  }
0x8d: {  	s2 =	sadd.s32 s2, s14  }
0x8e: {  	[smem:$0x3FBF] =	sst s2  }
0x8f: {  	_ = 	snop  }
0x90: {  	s2 =	sld [smem:$0x3FD0];
	_ =	sdelay $0x2  }
0x91: {  	s15 =	simm.s32 $0xA;
	s4 =	simm.s32 $0x10  }
0x92: {  	[smem:s4], [sflag:s15] =	dma.local [hbm:s2], $0x1  }
0x93: {  	_ =	swait.eq [sflag:s15], $0x1  }
0x94: {  	[sflag:s15] =	ssyncset.done $0x0  }
0x95: {  	[sflag:s15] =	ssyncadd.s32 $0xFFFFFFFF  }
0x96: {  	s16 =	sld [smem:$0x11];
	(tm) =	ssettm $0x1  }
0x97: {  	s17 =	sld [smem:$0x3FFB];
	_ =	sdelay $0x3  }
0x98: {  	_ =	strace s17  }
0x99: {  	s3 =	sld [smem:$0x3FFC];
	_ =	sdelay $0x3  }
0x9a: {  	_ =	strace s3  }
0x9b: {  	s3 =	sld [smem:$0x3FFD];
	_ =	sdelay $0x3  }
0x9c: {  	_ =	strace s3  }
0x9d: {  	_ =	strace $0x8FFFFFFF  }
0x9e: {  	s18 =	sld [smem:$0x3FDB];
	_ =	sdelay $0x1  }
0x9f: {  	s19 =	simm.s32 $_scs_section_size  }
0xa0: {  	s5 =	simm.s32 $_size__tile_overlayer_lowered;
	s6 =	simm.s32 $_tile_overlayer_lowered  }
0xa1: {  	s22 =	simm.s32 $0x1BFF;
	s21 =	sshll.u32 s6, $0x1;
	s3 =	sadd.s32 s19, s18  }
0xa2: {  	s7 =	simm.s32 $0x0;
	s20 =	sshll.u32 s5, $0x1;
	s5 =	sadd.s32 s21, s3  }
0xa3: {  	[timem:s7], [sflag:s22] =	dma.local [hbm:s5], s20  }
0xa4: {  	_ =	swait.ge [sflag:s22], s20  }
0xa5: {  	s4 =	ssub.s32 $0x0, s20;
	[sflag:s22] =	ssyncset.done $0x0  }
0xa6: {  	[sflag:s22] =	ssyncadd.s32 s4;
	_ =	sdelay $0x1  }
0xa7: {  	s23 =	simm.s32 $0x1B8B  }
0xa8: {  	_ =	swait.ge [sflag:s23], $0x1  }
0xa9: {  	[sflag:s23] =	ssyncset.done $0x0  }
0xaa: {  	s25 =	simm.s32 $0x1B8E;
	s24 =	sld [smem:$0x3FFE];
	[sflag:s23] =	ssyncadd.s32 $0xFFFFFFFF  }
0xab: {  	s26 =	simm.s32 $execute0_lowered;
	[smem:$0x3FD2] =	sst s25  }
0xac: {  	s5 =	sshll.u32 s26, $0x1;
	_ =	strace $0x80000049;
	[dreg:$0x1] =	wrdreg $0xFFFFFFFF  }
0xad: {  	s28 =	simm.s32 $_size_execute0_lowered;
	s3 =	sadd.s32 s3, s5;
	[dreg:$0x0] =	wrdreg $0x0  }
0xae: {  	s5 =	sshll.u32 s28, $0x1;
	[dreg:$0x2] =	wrdreg s3  }
0xaf: {  	[dreg:$0x3] =	wrdreg s5  }
0xb0: {  	[dreg:$0x4] =	wrdreg $0xC0  }
0xb1: {  	_ =	task [dreg:s7], $0x5FFFF  }
0xb2: {  	[dreg:$0x1] =	wrdreg $0xFFFFFFFF  }
0xb3: {  	[dreg:$0x0] =	wrdreg $0x60  }
0xb4: {  	[dreg:$0x2] =	wrdreg s24  }
0xb5: {  	[dreg:$0x3] =	wrdreg s16  }
0xb6: {  	[dreg:$0x4] =	wrdreg $0x0  }
0xb7: {  	[dreg:$0x5] =	wrdreg $0x9  }
0xb8: {  	_ =	task.clear_ibuf [dreg:s7], $0x6FFFF;
	_ =	strace $0x90000049  }
0xb9: {  	s29 =	simm.s32 $0x9;
	_ =	strace $0x8000004B  }
0xba: {  	_ =	swait.ge [sflag:s29], $0x1  }
0xbb: {  	[sflag:s29] =	ssyncadd.s32 $0xFFFFFFFF  }
0xbc: {  	_ =	strace $0x9000004B  }
0xbd: {  	_ =	sfence  }
0xbe: {  	s30 =	sld [smem:$0x0];
	_ =	sdelay $0x2  }
0xbf: {  	s31 =	sshll.u32 s1, $0xD;
	s1 =	sshrl.u32 s1, $0x2  }
0xc0: {  	s3 =	sand.u32 $0x4000, s31;
	s1 =	sadd.s32 s1, s30  }
0xc1: {  	s0 =	sor.u32 s3, s0;
	s1 =	sshll.u32 s1, $0x11  }
0xc2: {  	s0 =	sor.u32 s1, s0  }
0xc3: {  	s0 =	sadd.s32 $0x8F2B, s0  }
0xc4: {  	[sflag:s0] =	ssyncadd.remote.s32 $0x1  }
0xc5: {  	_ =	sfence.sel $0xFFFF  }
0xc6: {  	[dreg:$0x0] =	wrdreg $0xFFFFFFFF;
	(pc) =	sbr.abs _section_cstart, $3  }
0xc7: {  	[dreg:$0x1] =	wrdreg $0xFFFFFFFF  }
0xc8: {  	_ =	task.clear_ibuf [dreg:s7], $0x2FFFF;
	_ =	strace $0x9FFFFFFF  }
0xc9: {  	(tm) =	ssettm $0x7FFFFFFF  }
tec
execute0_lowered:
.L_overlay_start_1:
0x0: {  	(tag) =	ssettag $0x1  }
0x1: {  	s6 =	rddreg [dreg:$0x0]  }
0x2: {  	s1 =	rddreg [dreg:$0x1]  }
0x3: {  	s3 =	rddreg [dreg:$0x2];
	s2 =	srdreg.scid  }
0x4: {  	s0 =	rddreg [dreg:$0x3];
	s4 =	simm.s32 $0x0;
	s14 =	simm.s32 $0x16800  }
0x5: {  	s15 =	simm.s32 $0x80;
	s16 =	simm.s32 $0x19000;
	s7 =	sand.u32 $0x1, s2  }
0x6: {  	s17 =	simm.s32 $0x1;
	s2 =	stileid.u32;
	s5 =	smul.u32 $0x140000, s7  }
0x7: {  	s18 =	simm.s32 $0x0;
	[smem:$0x7FF] =	sst s4;
	s9 =	smul.u32 $0x14000, s2  }
0x8: {  	s8 =	sshll.u32 s2, $0x1;
	_ =	strace $0x8000004A;
	s10 =	smul.u32 $0x50000, s2  }
0x9: {  	s31 =	ssub.s32 $0x2, s7;
	s11 =	sshll.u32 s2, $0x6;
	s8 =	sor.u32 s7, s8  }
0xa: {  	s7 =	sshrl.u32 s31, $0x1;
	s8 =	smul.u32 $0x500, s8;
	s9 =	sadd.s32 s9, s5  }
0xb: {  	s5 =	sadd.s32 $0x29200, s6;
	s10 =	sshrl.u32 s10, $0x2;
	s12 =	ssub.s32 s31, s7  }
0xc: {  	s9 =	sshrl.u32 s9, $0x3;
	s13 =	sadd.s32 s10, s3;
	s10 =	smax.u32 s12, $0x1  }
0xd: {  	s12 =	simm.s32 $0x2;
	s8 =	sadd.s32 s8, s6;
	s9 =	sadd.s32 s9, s6  }
0xe: {  	s6 =	sor.u32 $0x1C02, s11;
	s11 =	sshrl.u32 s13, $0x3;
	s13 =	simm.s32 $0x14000  }
0xf: {  	s7 =	sadd.s32 $0x1F200, s8;
	s8 =	sadd.s32 $0x15200, s8;
	s9 =	sadd.s32 $0x51200, s9  }
.LBB2_1:
0x10: {  	[spmem:s11], [sflag:s6] =	dma.local [hbm:s1], $0x2800  }
0x11: {  	_ =	swait.ge [sflag:s12], $0x2800  }
0x12: {  	[sflag:s12] =	ssyncset.done $0x0  }
0x13: {  	[sflag:s12] =	ssyncadd.s32 $0xFFFFD800  }
0x14: {  	[tilespmem:s13], [sflag:$0x2] =	stream.linear.gather [hbm4b:s7+s4], $0x2800, $0x38;
	[tilespmem:$0x1D000] =	vst v63  }
0x15: {  	_ =	swait.ge [sflag:s12], $0x2800  }
0x16: {  	[sflag:s12] =	ssyncset.done $0x0  }
0x17: {  	[sflag:s12] =	ssyncadd.s32 $0xFFFFD800  }
0x18: {  	[tilespmem:s14], [sflag:$0x2] =	stream.linear.gather [hbm4b:s8+s4], $0x2800, $0x38;
	[tilespmem:$0x1D000] =	vst v63  }
0x19: {  	_ =	swait.ge [sflag:s12], $0x2800  }
0x1a: {  	[sflag:s12] =	ssyncset.done $0x0  }
0x1b: {  	[sflag:s12] =	ssyncadd.s32 $0xFFFFD800  }
0x1c: {  	s19 =	simm.s32 $0x14000;
	[bflag:$0x0] =	sbarrier.arrive $0xFFFF  }
0x1d: {  	[tilespmem:s16], [sflag:$0x1] =	stream.indirect.gather [hbm4b:s5+s15], $0x80, s19, s15, $0xb8;
	[tilespmem:$0x1D000] =	vst v63  }
0x1e: {  	_ =	swait.ge [sflag:s17], $0x4000  }
0x1f: {  	[sflag:s17] =	ssyncset.done $0x0  }
0x20: {  	s31 =	simm.s32 $0x16800;
	[sflag:s17] =	ssyncadd.s32 $0xFFFFC000  }
0x21: {  	[spmem:s3] =	stream.indirect.scatter.add.f32 [tilespmem:s16], [sflag:$0x2], $0x80, s31, s15, $0xb8;
	[tilespmem:$0x1D000] =	vst v63  }
0x22: {  	_ =	swait.ge [sflag:s12], $0x4000  }
0x23: {  	s20 =	simm.s32 $0x400;
	s19 =	simm.s32 $0x80;
	[sflag:s12] =	ssyncset.done $0x0  }
.LBB2_2:
0x24: {  	s21 =	sadd.s32 $0x14000, s19  }
0x25: {  	[sflag:s12] =	ssyncadd.s32 $0xFFFFC000;
	s22 =	smov.u32 s20;
	s23 =	sadd.s32 $0x200, s20  }
0x26: {  	[tilespmem:s16], [sflag:$0x1] =	stream.indirect.gather [hbm4b:s5+s15], $0x80, s21, s15, $0xb8;
	[tilespmem:$0x1D000] =	vst v63  }
0x27: {  	p0 =	sne.s32 s20, $0x9E00;
	_ =	swait.ge [sflag:s17], $0x4000  }
.Ltmp0:
0x28: {  	[sflag:s17] =	ssyncset.done $0x0;
	(pc) =	sbr.rel @p0 .LBB2_2-.Ltmp0, $4  }
0x29: {  	s19 =	sadd.s32 $0x16800, s19;
	[sflag:s17] =	ssyncadd.s32 $0xFFFFC000  }
0x2a: {  	[spmem:s3] =	stream.indirect.scatter.add.f32 [tilespmem:s16], [sflag:$0x2], $0x80, s19, s15, $0xb8;
	[tilespmem:$0x1D000] =	vst v63  }
0x2b: {  	_ =	swait.ge [sflag:s12], $0x4000  }
0x2c: {  	s20 =	smov.u32 s23;
	s19 =	sshra.s32 s22, $0x2;
	[sflag:s12] =	ssyncset.done $0x0  }
0x2d: {  	s20 =	sadd.s32 $0x14000, s19;
	[sflag:s12] =	ssyncadd.s32 $0xFFFFC000  }
0x2e: {  	[tilespmem:s16], [sflag:$0x1] =	stream.indirect.gather [hbm4b:s5+s15], $0x80, s20, s15, $0xb8;
	[tilespmem:$0x1D000] =	vst v63  }
0x2f: {  	_ =	swait.ge [sflag:s17], $0x4000  }
0x30: {  	[sflag:s17] =	ssyncset.done $0x0  }
0x31: {  	s31 =	sadd.s32 $0x16800, s19;
	[sflag:s17] =	ssyncadd.s32 $0xFFFFC000  }
0x32: {  	[spmem:s3] =	stream.indirect.scatter.add.f32 [tilespmem:s16], [sflag:$0x2], $0x80, s31, s15, $0xb8;
	[tilespmem:$0x1D000] =	vst v63  }
0x33: {  	_ =	swait.ge [sflag:s12], $0x4000  }
0x34: {  	s18 =	sadd.s32 $0x1, s18;
	[sflag:s12] =	ssyncset.done $0x0  }
0x35: {  	p0 =	sne.s32 s18, s10;
	[sflag:s12] =	ssyncadd.s32 $0xFFFFC000  }
.Ltmp1:
0x36: {  	[bflag:$0x0] =	sbarrier.arrive $0xFFFF;
	(pc) =	sbr.rel @p0 .LBB2_1-.Ltmp1, $4  }
0x37: {  	[hbm:s9], [sflag:s6] =	dma.local [spmem:s11], $0x2800  }
0x38: {  	_ =	swait.ge [sflag:s12], $0x2800  }
0x39: {  	[sflag:s12] =	ssyncset.done $0x0  }
0x3a: {  	[sflag:s12] =	ssyncadd.s32 $0xFFFFD800  }
0x3b: {  	_ =	sfence.sel $0x180000  }
0x3c: {  	[bflag:$0x0] =	sbarrier.arrive $0xFFFF  }
0x3d: {  	p0 =	sne.s32 s2, $0x0;
	_ =	strace $0x9000004A  }
0x3e: {  	s0 =	sadd.s32 @!p0 $0x100000, s0;
	[bflag:$0x2] =	sbarrier.arrive $0xFFFF  }
0x3f: {  	[sflag:s0] =	ssyncadd.tile.s32 @!p0 $0x1;
	_ =	shalt  }
.Lfunc_end2:
_tile_overlayer_lowered:
.L_overlay_start_2:
0x40: {  	(tag) =	ssettag $0x2  }
0x41: {  	s0 =	rddreg [dreg:$0x0];
	s2 =	stileid.u32  }
0x42: {  	s1 =	rddreg [dreg:$0x1];
	p0 =	sne.s32 s2, $0x0  }
0x43: {  	s3 =	rddreg [dreg:$0x2];
	[bflag:$0x3] =	sbarrier.arrive $0xFFFF;
	s2 =	simm.s32 @!p0 $0x1C02  }
0x44: {  	[timem:s3], [sflag:s2] =	dma.local @!p0 [hbm:s0], s1  }
0x45: {  	s0 =	simm.s32 @!p0 $0x2  }
0x46: {  	_ =	swait.ge @!p0 [sflag:s0], s1  }
0x47: {  	s1 =	ssub.s32 @!p0 $0x0, s1;
	[sflag:s0] =	ssyncset.done @!p0 $0x0  }
0x48: {  	[sflag:s0] =	ssyncadd.s32 @!p0 s1  }
0x49: {  	[bflag:$0x3] =	sbarrier.arrive $0xFFFF  }
0x4a: {  	_ =	shalt  }

// kernel: kernel.15.cloned.1.call-start
scs
__scs_entry_jumppad:
0x0: {  	(pc) =	sbr.rel $0x88, $3  }
0x1: {  	(tag) =	ssettag $0x0;
	lr =	simm.s32 $0x1  }
0x2: {  	[smem:$0x3F98] =	sst lr;
	_ =	strace $0xD0000000  }
0x3: {  	_ = 	snop  }
0x4: {  	_ = 	snop  }
0x5: {  	_ = 	snop  }
0x6: {  	_ = 	snop  }
0x7: {  	_ = 	snop  }
__scs_overlays_trampoline_lowered:
0x8: {  	[smem:$0x3FA7] =	sst s0  }
0x9: {  	[smem:$0x3FA8] =	sst s1  }
0xa: {  	[smem:$0x3FA9] =	sst s2  }
0xb: {  	[smem:$0x3FAA] =	sst s3  }
0xc: {  	[smem:$0x3FAB] =	sst s4  }
0xd: {  	[smem:$0x3FAC] =	sst s5  }
0xe: {  	[smem:$0x3FAD] =	sst s6  }
0xf: {  	[smem:$0x3FAE] =	sst s7  }
0x10: {  	[smem:$0x3FAF] =	sst s8  }
0x11: {  	[smem:$0x3FB0] =	sst s9;
	s0 =	simm.s32 @!p0 $0x0  }
0x12: {  	s1 =	sld [smem:$0x3F96];
	s0 =	simm.s32 @p0 $0x1  }
0x13: {  	[smem:$0x3FB1] =	sst s0;
	s0 =	simm.s32 @!p1 $0x0  }
0x14: {  	s2 =	sld [smem:$0x3F95];
	s0 =	simm.s32 @p1 $0x1  }
0x15: {  	[smem:$0x3FB2] =	sst s0;
	s0 =	simm.s32 @!p2 $0x0  }
0x16: {  	s3 =	sld [smem:$0x3FDB];
	s0 =	simm.s32 @p2 $0x1  }
0x17: {  	s4 =	simm.s32 $0x1BF5;
	[smem:$0x3FB4] =	sst s0  }
0x18: {  	s0 =	sld [smem:$0x3F97];
	_ =	swait.ge [sflag:s4], $0x0  }
0x19: {  	s7 =	sld [smem:$0x3F98]  }
0x1a: {  	s8 =	sadd.s32 $0xFFFFE003, lr  }
0x1b: {  	s9 =	sadd.s32 $0xFFFFFEF7, lr;
	s5 =	simm.s32 $0xFFFFFFFF;
	p2 =	slt.u32 s8, $0xFFFFF086  }
0x1c: {  	p1 =	slt.u32 s9, $0xF7A;
	s5 =	simm.s32 @!p2 $0x0  }
0x1d: {  	s5 =	simm.s32 @p1 $0x1;
	p0 =	seq.s32 s7, s2  }
0x1e: {  	s7 =	smul.u32 @!p0 $0xF7A, s2;
	p2 =	seq.s32 @!p0 s5, $0x0  }
0x1f: {  	s9 =	smul.u32 $0xF7A, s1;
	s8 =	simm.s32 @!p0 $0x1BF5;
	p2 =	por !p2, p0  }
0x20: {  	[sflag:s8] =	ssyncset.s32 @!p0 $0xFFFFF086;
	s6 =	sadd.s32 @!p0 s3, s7;
	s7 =	simm.s32 @!p0 $0x108  }
0x21: {  	s3 =	sadd.s32 s3, s9;
	s6 =	sadd.s32 @!p0 $0x88, s6;
	s7 =	simm.s32 @p2 $0x1082  }
0x22: {  	[simem:s7], [sflag:s8] =	dma.local @!p0 [hbm:s6], $0xF7A  }
0x23: {  	s9 =	sor.u32 $0xD0000000, s2;
	s6 =	simm.s32 $0x108;
	_ =	swait.ge @!p0 [sflag:s8], $0x0  }
0x24: {  	s3 =	sadd.s32 $0x88, s3;
	s6 =	simm.s32 @!p1 $0x1082;
	[sflag:s4] =	ssyncset.s32 $0xFFFFF086  }
0x25: {  	[simem:s6], [sflag:s4] =	dma.local [hbm:s3], $0xF7A  }
0x26: {  	[smem:$0x3F98] =	sst s1;
	(tag) =	ssettag s2;
	_ =	strace s9  }
0x27: {  	s1 =	sld [smem:$0x3FA8]  }
0x28: {  	s2 =	sld [smem:$0x3FA9]  }
0x29: {  	s4 =	sld [smem:$0x3FAB]  }
0x2a: {  	p0 =	seq.s32 s5, $0x0;
	s5 =	sld [smem:$0x3FAC]  }
0x2b: {  	s6 =	sld [smem:$0x3FAD]  }
0x2c: {  	s7 =	sld [smem:$0x3FAE]  }
0x2d: {  	s3 =	simm.s32 $0x108;
	s8 =	sld [smem:$0x3FAF]  }
0x2e: {  	s3 =	simm.s32 @!p0 $0x1082;
	s9 =	sld [smem:$0x3FB0]  }
0x2f: {  	lr =	sadd.s32 s0, s3;
	s0 =	sld [smem:$0x3FA7]  }
0x30: {  	s3 =	sld [smem:$0x3FAA]  }
0x31: {  	[smem:$0x3FB3] =	sst s10  }
0x32: {  	s10 =	sld [smem:$0x3FB1];
	_ =	sdelay $0x3  }
0x33: {  	p0 =	seq.s32 s10, $0x1;
	s10 =	sld [smem:$0x3FB3];
	_ =	sdelay $0x3  }
0x34: {  	[smem:$0x3FB3] =	sst s10  }
0x35: {  	s10 =	sld [smem:$0x3FB2];
	_ =	sdelay $0x3  }
0x36: {  	p1 =	seq.s32 s10, $0x1;
	s10 =	sld [smem:$0x3FB3];
	_ =	sdelay $0x3  }
0x37: {  	[smem:$0x3FB3] =	sst s10  }
0x38: {  	s10 =	sld [smem:$0x3FB4]  }
0x39: {  	_ = 	snop;
	(pc) =	sbr.ind lr, $3  }
0x3a: {  	_ = 	snop  }
0x3b: {  	_ = 	snop  }
0x3c: {  	p2 =	seq.s32 s10, $0x1;
	s10 =	sld [smem:$0x3FB3]  }
0x3d: {  	_ =	shalt  }
0x3e: {  	_ =	shalt  }
0x3f: {  	_ =	shalt  }
0x40: {  	_ =	shalt  }
0x41: {  	_ =	shalt  }
0x42: {  	_ =	shalt  }
0x43: {  	_ =	shalt  }
0x44: {  	_ =	shalt  }
0x45: {  	_ =	shalt  }
0x46: {  	_ =	shalt  }
0x47: {  	_ =	shalt  }
0x48: {  	_ =	shalt  }
0x49: {  	_ =	shalt  }
0x4a: {  	_ =	shalt  }
0x4b: {  	_ =	shalt  }
0x4c: {  	_ =	shalt  }
0x4d: {  	_ =	shalt  }
0x4e: {  	_ =	shalt  }
0x4f: {  	_ =	shalt  }
0x50: {  	_ =	shalt  }
0x51: {  	_ =	shalt  }
0x52: {  	_ =	shalt  }
0x53: {  	_ =	shalt  }
0x54: {  	_ =	shalt  }
0x55: {  	_ =	shalt  }
0x56: {  	_ =	shalt  }
0x57: {  	_ =	shalt  }
0x58: {  	_ =	shalt  }
0x59: {  	_ =	shalt  }
0x5a: {  	_ =	shalt  }
0x5b: {  	_ =	shalt  }
0x5c: {  	_ =	shalt  }
0x5d: {  	_ =	shalt  }
0x5e: {  	_ =	shalt  }
0x5f: {  	_ =	shalt  }
0x60: {  	_ =	shalt  }
0x61: {  	_ =	shalt  }
0x62: {  	_ =	shalt  }
0x63: {  	_ =	shalt  }
0x64: {  	_ =	shalt  }
0x65: {  	_ =	shalt  }
0x66: {  	_ =	shalt  }
0x67: {  	_ =	shalt  }
0x68: {  	_ =	shalt  }
0x69: {  	_ =	shalt  }
0x6a: {  	_ =	shalt  }
0x6b: {  	_ =	shalt  }
0x6c: {  	_ =	shalt  }
0x6d: {  	_ =	shalt  }
0x6e: {  	_ =	shalt  }
0x6f: {  	_ =	shalt  }
0x70: {  	_ =	shalt  }
0x71: {  	_ =	shalt  }
0x72: {  	_ =	shalt  }
0x73: {  	_ =	shalt  }
0x74: {  	_ =	shalt  }
0x75: {  	_ =	shalt  }
0x76: {  	_ =	shalt  }
0x77: {  	_ =	shalt  }
0x78: {  	_ =	shalt  }
0x79: {  	_ =	shalt  }
0x7a: {  	_ =	shalt  }
0x7b: {  	_ =	shalt  }
0x7c: {  	_ =	shalt  }
0x7d: {  	_ =	shalt  }
0x7e: {  	_ =	shalt  }
0x7f: {  	_ =	shalt  }
0x80: {  	_ =	shalt  }
0x81: {  	_ =	shalt  }
0x82: {  	_ =	shalt  }
0x83: {  	_ =	shalt  }
0x84: {  	_ =	shalt  }
0x85: {  	_ =	shalt  }
0x86: {  	_ =	shalt  }
0x87: {  	_ =	shalt  }
.Lfunc_end0:
.L_simem_size_0:
called_computation.2_lowered:
.L_overlay_start_0:
0x88: {  	s2 =	sld [smem:$0x3FD9]  }
0x89: {  	s3 =	sld [smem:$0x3FFE];
	_ =	sdelay $0x1  }
0x8a: {  	s1 =	srdreg.scid  }
0x8b: {  	s0 =	sand.u32 $0x1, s1  }
0x8c: {  	s14 =	sshll.u32 s0, $0xA;
	s2 =	sadd.s32 s3, s2  }
0x8d: {  	s2 =	sadd.s32 s2, s14  }
0x8e: {  	[smem:$0x3FBF] =	sst s2  }
0x8f: {  	_ = 	snop  }
0x90: {  	s2 =	sld [smem:$0x3FD0];
	_ =	sdelay $0x2  }
0x91: {  	s15 =	simm.s32 $0xA;
	s4 =	simm.s32 $0x10  }
0x92: {  	[smem:s4], [sflag:s15] =	dma.local [hbm:s2], $0x1  }
0x93: {  	_ =	swait.eq [sflag:s15], $0x1  }
0x94: {  	[sflag:s15] =	ssyncset.done $0x0  }
0x95: {  	[sflag:s15] =	ssyncadd.s32 $0xFFFFFFFF  }
0x96: {  	s16 =	sld [smem:$0x11];
	(tm) =	ssettm $0x1  }
0x97: {  	s17 =	sld [smem:$0x3FFB];
	_ =	sdelay $0x3  }
0x98: {  	_ =	strace s17  }
0x99: {  	s3 =	sld [smem:$0x3FFC];
	_ =	sdelay $0x3  }
0x9a: {  	_ =	strace s3  }
0x9b: {  	s3 =	sld [smem:$0x3FFD];
	_ =	sdelay $0x3  }
0x9c: {  	_ =	strace s3  }
0x9d: {  	_ =	strace $0x8FFFFFFF  }
0x9e: {  	s18 =	sld [smem:$0x3FDB];
	_ =	sdelay $0x1  }
0x9f: {  	s19 =	simm.s32 $_scs_section_size  }
0xa0: {  	s5 =	simm.s32 $_size__tile_overlayer_lowered;
	s6 =	simm.s32 $_tile_overlayer_lowered  }
0xa1: {  	s22 =	simm.s32 $0x1BFF;
	s21 =	sshll.u32 s6, $0x1;
	s3 =	sadd.s32 s19, s18  }
0xa2: {  	s7 =	simm.s32 $0x0;
	s20 =	sshll.u32 s5, $0x1;
	s5 =	sadd.s32 s21, s3  }
0xa3: {  	[timem:s7], [sflag:s22] =	dma.local [hbm:s5], s20  }
0xa4: {  	_ =	swait.ge [sflag:s22], s20  }
0xa5: {  	s4 =	ssub.s32 $0x0, s20;
	[sflag:s22] =	ssyncset.done $0x0  }
0xa6: {  	[sflag:s22] =	ssyncadd.s32 s4;
	_ =	sdelay $0x1  }
0xa7: {  	s23 =	simm.s32 $0x1B8B  }
0xa8: {  	_ =	swait.ge [sflag:s23], $0x1  }
0xa9: {  	[sflag:s23] =	ssyncset.done $0x0  }
0xaa: {  	s25 =	simm.s32 $0x1B8E;
	s24 =	sld [smem:$0x3FFE];
	[sflag:s23] =	ssyncadd.s32 $0xFFFFFFFF  }
0xab: {  	s26 =	simm.s32 $execute0_lowered;
	[smem:$0x3FD2] =	sst s25  }
0xac: {  	s5 =	sshll.u32 s26, $0x1;
	_ =	strace $0x8000004C;
	[dreg:$0x1] =	wrdreg $0xFFFFFFFF  }
0xad: {  	s28 =	simm.s32 $_size_execute0_lowered;
	s3 =	sadd.s32 s3, s5;
	[dreg:$0x0] =	wrdreg $0x0  }
0xae: {  	s5 =	sshll.u32 s28, $0x1;
	[dreg:$0x2] =	wrdreg s3  }
0xaf: {  	[dreg:$0x3] =	wrdreg s5  }
0xb0: {  	[dreg:$0x4] =	wrdreg $0xC0  }
0xb1: {  	_ =	task [dreg:s7], $0x5FFFF  }
0xb2: {  	[dreg:$0x1] =	wrdreg $0xFFFFFFFF  }
0xb3: {  	[dreg:$0x0] =	wrdreg $0x60  }
0xb4: {  	[dreg:$0x2] =	wrdreg s24  }
0xb5: {  	[dreg:$0x3] =	wrdreg s16  }
0xb6: {  	[dreg:$0x4] =	wrdreg $0x0  }
0xb7: {  	[dreg:$0x5] =	wrdreg $0x9  }
0xb8: {  	_ =	task.clear_ibuf [dreg:s7], $0x6FFFF;
	_ =	strace $0x9000004C  }
0xb9: {  	s29 =	simm.s32 $0x9;
	_ =	strace $0x8000004E  }
0xba: {  	_ =	swait.ge [sflag:s29], $0x1  }
0xbb: {  	[sflag:s29] =	ssyncadd.s32 $0xFFFFFFFF  }
0xbc: {  	_ =	strace $0x9000004E  }
0xbd: {  	_ =	sfence  }
0xbe: {  	s30 =	sld [smem:$0x0];
	_ =	sdelay $0x2  }
0xbf: {  	s31 =	sshll.u32 s1, $0xD;
	s1 =	sshrl.u32 s1, $0x2  }
0xc0: {  	s3 =	sand.u32 $0x4000, s31;
	s1 =	sadd.s32 s1, s30  }
0xc1: {  	s0 =	sor.u32 s3, s0;
	s1 =	sshll.u32 s1, $0x11  }
0xc2: {  	s0 =	sor.u32 s1, s0  }
0xc3: {  	s0 =	sadd.s32 $0x8F2B, s0  }
0xc4: {  	[sflag:s0] =	ssyncadd.remote.s32 $0x1  }
0xc5: {  	_ =	sfence.sel $0xFFFF  }
0xc6: {  	[dreg:$0x0] =	wrdreg $0xFFFFFFFF;
	(pc) =	sbr.abs _section_cstart, $3  }
0xc7: {  	[dreg:$0x1] =	wrdreg $0xFFFFFFFF  }
0xc8: {  	_ =	task.clear_ibuf [dreg:s7], $0x2FFFF;
	_ =	strace $0x9FFFFFFF  }
0xc9: {  	(tm) =	ssettm $0x7FFFFFFF  }
tec
execute0_lowered:
.L_overlay_start_1:
0x0: {  	(tag) =	ssettag $0x1  }
0x1: {  	s6 =	rddreg [dreg:$0x0]  }
0x2: {  	s1 =	rddreg [dreg:$0x1]  }
0x3: {  	s3 =	rddreg [dreg:$0x2];
	s2 =	srdreg.scid  }
0x4: {  	s0 =	rddreg [dreg:$0x3];
	s4 =	simm.s32 $0x0;
	s14 =	simm.s32 $0x16800  }
0x5: {  	s15 =	simm.s32 $0x80;
	s16 =	simm.s32 $0x19000;
	s7 =	sand.u32 $0x1, s2  }
0x6: {  	s17 =	simm.s32 $0x1;
	s2 =	stileid.u32;
	s5 =	smul.u32 $0x140000, s7  }
0x7: {  	s18 =	simm.s32 $0x0;
	[smem:$0x7FF] =	sst s4;
	s9 =	smul.u32 $0x14000, s2  }
0x8: {  	s8 =	sshll.u32 s2, $0x1;
	_ =	strace $0x8000004D;
	s10 =	smul.u32 $0x50000, s2  }
0x9: {  	s31 =	ssub.s32 $0x2, s7;
	s11 =	sshll.u32 s2, $0x6;
	s8 =	sor.u32 s7, s8  }
0xa: {  	s7 =	sshrl.u32 s31, $0x1;
	s8 =	smul.u32 $0x500, s8;
	s9 =	sadd.s32 s9, s5  }
0xb: {  	s5 =	sadd.s32 $0x29200, s6;
	s10 =	sshrl.u32 s10, $0x2;
	s12 =	ssub.s32 s31, s7  }
0xc: {  	s9 =	sshrl.u32 s9, $0x3;
	s13 =	sadd.s32 s10, s3;
	s10 =	smax.u32 s12, $0x1  }
0xd: {  	s12 =	simm.s32 $0x2;
	s8 =	sadd.s32 s8, s6;
	s9 =	sadd.s32 s9, s6  }
0xe: {  	s6 =	sor.u32 $0x1C02, s11;
	s11 =	sshrl.u32 s13, $0x3;
	s13 =	simm.s32 $0x14000  }
0xf: {  	s7 =	sadd.s32 $0x1F200, s8;
	s8 =	sadd.s32 $0x15200, s8;
	s9 =	sadd.s32 $0x51200, s9  }
.LBB2_1:
0x10: {  	[spmem:s11], [sflag:s6] =	dma.local [hbm:s1], $0x2800  }
0x11: {  	_ =	swait.ge [sflag:s12], $0x2800  }
0x12: {  	[sflag:s12] =	ssyncset.done $0x0  }
0x13: {  	[sflag:s12] =	ssyncadd.s32 $0xFFFFD800  }
0x14: {  	[tilespmem:s13], [sflag:$0x2] =	stream.linear.gather [hbm4b:s7+s4], $0x2800, $0x38;
	[tilespmem:$0x1D000] =	vst v63  }
0x15: {  	_ =	swait.ge [sflag:s12], $0x2800  }
0x16: {  	[sflag:s12] =	ssyncset.done $0x0  }
0x17: {  	[sflag:s12] =	ssyncadd.s32 $0xFFFFD800  }
0x18: {  	[tilespmem:s14], [sflag:$0x2] =	stream.linear.gather [hbm4b:s8+s4], $0x2800, $0x38;
	[tilespmem:$0x1D000] =	vst v63  }
0x19: {  	_ =	swait.ge [sflag:s12], $0x2800  }
0x1a: {  	[sflag:s12] =	ssyncset.done $0x0  }
0x1b: {  	[sflag:s12] =	ssyncadd.s32 $0xFFFFD800  }
0x1c: {  	s19 =	simm.s32 $0x14000;
	[bflag:$0x0] =	sbarrier.arrive $0xFFFF  }
0x1d: {  	[tilespmem:s16], [sflag:$0x1] =	stream.indirect.gather [hbm4b:s5+s15], $0x80, s19, s15, $0xb8;
	[tilespmem:$0x1D000] =	vst v63  }
0x1e: {  	_ =	swait.ge [sflag:s17], $0x4000  }
0x1f: {  	[sflag:s17] =	ssyncset.done $0x0  }
0x20: {  	s31 =	simm.s32 $0x16800;
	[sflag:s17] =	ssyncadd.s32 $0xFFFFC000  }
0x21: {  	[spmem:s3] =	stream.indirect.scatter.add.f32 [tilespmem:s16], [sflag:$0x2], $0x80, s31, s15, $0xb8;
	[tilespmem:$0x1D000] =	vst v63  }
0x22: {  	_ =	swait.ge [sflag:s12], $0x4000  }
0x23: {  	s20 =	simm.s32 $0x400;
	s19 =	simm.s32 $0x80;
	[sflag:s12] =	ssyncset.done $0x0  }
.LBB2_2:
0x24: {  	s21 =	sadd.s32 $0x14000, s19  }
0x25: {  	[sflag:s12] =	ssyncadd.s32 $0xFFFFC000;
	s22 =	smov.u32 s20;
	s23 =	sadd.s32 $0x200, s20  }
0x26: {  	[tilespmem:s16], [sflag:$0x1] =	stream.indirect.gather [hbm4b:s5+s15], $0x80, s21, s15, $0xb8;
	[tilespmem:$0x1D000] =	vst v63  }
0x27: {  	p0 =	sne.s32 s20, $0x9E00;
	_ =	swait.ge [sflag:s17], $0x4000  }
.Ltmp0:
0x28: {  	[sflag:s17] =	ssyncset.done $0x0;
	(pc) =	sbr.rel @p0 .LBB2_2-.Ltmp0, $4  }
0x29: {  	s19 =	sadd.s32 $0x16800, s19;
	[sflag:s17] =	ssyncadd.s32 $0xFFFFC000  }
0x2a: {  	[spmem:s3] =	stream.indirect.scatter.add.f32 [tilespmem:s16], [sflag:$0x2], $0x80, s19, s15, $0xb8;
	[tilespmem:$0x1D000] =	vst v63  }
0x2b: {  	_ =	swait.ge [sflag:s12], $0x4000  }
0x2c: {  	s20 =	smov.u32 s23;
	s19 =	sshra.s32 s22, $0x2;
	[sflag:s12] =	ssyncset.done $0x0  }
0x2d: {  	s20 =	sadd.s32 $0x14000, s19;
	[sflag:s12] =	ssyncadd.s32 $0xFFFFC000  }
0x2e: {  	[tilespmem:s16], [sflag:$0x1] =	stream.indirect.gather [hbm4b:s5+s15], $0x80, s20, s15, $0xb8;
	[tilespmem:$0x1D000] =	vst v63  }
0x2f: {  	_ =	swait.ge [sflag:s17], $0x4000  }
0x30: {  	[sflag:s17] =	ssyncset.done $0x0  }
0x31: {  	s31 =	sadd.s32 $0x16800, s19;
	[sflag:s17] =	ssyncadd.s32 $0xFFFFC000  }
0x32: {  	[spmem:s3] =	stream.indirect.scatter.add.f32 [tilespmem:s16], [sflag:$0x2], $0x80, s31, s15, $0xb8;
	[tilespmem:$0x1D000] =	vst v63  }
0x33: {  	_ =	swait.ge [sflag:s12], $0x4000  }
0x34: {  	s18 =	sadd.s32 $0x1, s18;
	[sflag:s12] =	ssyncset.done $0x0  }
0x35: {  	p0 =	sne.s32 s18, s10;
	[sflag:s12] =	ssyncadd.s32 $0xFFFFC000  }
.Ltmp1:
0x36: {  	[bflag:$0x0] =	sbarrier.arrive $0xFFFF;
	(pc) =	sbr.rel @p0 .LBB2_1-.Ltmp1, $4  }
0x37: {  	[hbm:s9], [sflag:s6] =	dma.local [spmem:s11], $0x2800  }
0x38: {  	_ =	swait.ge [sflag:s12], $0x2800  }
0x39: {  	[sflag:s12] =	ssyncset.done $0x0  }
0x3a: {  	[sflag:s12] =	ssyncadd.s32 $0xFFFFD800  }
0x3b: {  	_ =	sfence.sel $0x180000  }
0x3c: {  	[bflag:$0x0] =	sbarrier.arrive $0xFFFF  }
0x3d: {  	p0 =	sne.s32 s2, $0x0;
	_ =	strace $0x9000004D  }
0x3e: {  	s0 =	sadd.s32 @!p0 $0x100000, s0;
	[bflag:$0x2] =	sbarrier.arrive $0xFFFF  }
0x3f: {  	[sflag:s0] =	ssyncadd.tile.s32 @!p0 $0x1;
	_ =	shalt  }
.Lfunc_end2:
_tile_overlayer_lowered:
.L_overlay_start_2:
0x40: {  	(tag) =	ssettag $0x2  }
0x41: {  	s0 =	rddreg [dreg:$0x0];
	s2 =	stileid.u32  }
0x42: {  	s1 =	rddreg [dreg:$0x1];
	p0 =	sne.s32 s2, $0x0  }
0x43: {  	s3 =	rddreg [dreg:$0x2];
	[bflag:$0x3] =	sbarrier.arrive $0xFFFF;
	s2 =	simm.s32 @!p0 $0x1C02  }
0x44: {  	[timem:s3], [sflag:s2] =	dma.local @!p0 [hbm:s0], s1  }
0x45: {  	s0 =	simm.s32 @!p0 $0x2  }
0x46: {  	_ =	swait.ge @!p0 [sflag:s0], s1  }
0x47: {  	s1 =	ssub.s32 @!p0 $0x0, s1;
	[sflag:s0] =	ssyncset.done @!p0 $0x0  }
0x48: {  	[sflag:s0] =	ssyncadd.s32 @!p0 s1  }
0x49: {  	[bflag:$0x3] =	sbarrier.arrive $0xFFFF  }
0x4a: {  	_ =	shalt  }

// kernel: kernel.18.cloned.1.call-start
scs
__scs_entry_jumppad:
0x0: {  	(pc) =	sbr.rel $0x88, $3  }
0x1: {  	(tag) =	ssettag $0x0;
	lr =	simm.s32 $0x1  }
0x2: {  	[smem:$0x3F98] =	sst lr;
	_ =	strace $0xD0000000  }
0x3: {  	_ = 	snop  }
0x4: {  	_ = 	snop  }
0x5: {  	_ = 	snop  }
0x6: {  	_ = 	snop  }
0x7: {  	_ = 	snop  }
__scs_overlays_trampoline_lowered:
0x8: {  	[smem:$0x3FA7] =	sst s0  }
0x9: {  	[smem:$0x3FA8] =	sst s1  }
0xa: {  	[smem:$0x3FA9] =	sst s2  }
0xb: {  	[smem:$0x3FAA] =	sst s3  }
0xc: {  	[smem:$0x3FAB] =	sst s4  }
0xd: {  	[smem:$0x3FAC] =	sst s5  }
0xe: {  	[smem:$0x3FAD] =	sst s6  }
0xf: {  	[smem:$0x3FAE] =	sst s7  }
0x10: {  	[smem:$0x3FAF] =	sst s8  }
0x11: {  	[smem:$0x3FB0] =	sst s9;
	s0 =	simm.s32 @!p0 $0x0  }
0x12: {  	s1 =	sld [smem:$0x3F96];
	s0 =	simm.s32 @p0 $0x1  }
0x13: {  	[smem:$0x3FB1] =	sst s0;
	s0 =	simm.s32 @!p1 $0x0  }
0x14: {  	s2 =	sld [smem:$0x3F95];
	s0 =	simm.s32 @p1 $0x1  }
0x15: {  	[smem:$0x3FB2] =	sst s0;
	s0 =	simm.s32 @!p2 $0x0  }
0x16: {  	s3 =	sld [smem:$0x3FDB];
	s0 =	simm.s32 @p2 $0x1  }
0x17: {  	s4 =	simm.s32 $0x1BF5;
	[smem:$0x3FB4] =	sst s0  }
0x18: {  	s0 =	sld [smem:$0x3F97];
	_ =	swait.ge [sflag:s4], $0x0  }
0x19: {  	s7 =	sld [smem:$0x3F98]  }
0x1a: {  	s8 =	sadd.s32 $0xFFFFE003, lr  }
0x1b: {  	s9 =	sadd.s32 $0xFFFFFEF7, lr;
	s5 =	simm.s32 $0xFFFFFFFF;
	p2 =	slt.u32 s8, $0xFFFFF086  }
0x1c: {  	p1 =	slt.u32 s9, $0xF7A;
	s5 =	simm.s32 @!p2 $0x0  }
0x1d: {  	s5 =	simm.s32 @p1 $0x1;
	p0 =	seq.s32 s7, s2  }
0x1e: {  	s7 =	smul.u32 @!p0 $0xF7A, s2;
	p2 =	seq.s32 @!p0 s5, $0x0  }
0x1f: {  	s9 =	smul.u32 $0xF7A, s1;
	s8 =	simm.s32 @!p0 $0x1BF5;
	p2 =	por !p2, p0  }
0x20: {  	[sflag:s8] =	ssyncset.s32 @!p0 $0xFFFFF086;
	s6 =	sadd.s32 @!p0 s3, s7;
	s7 =	simm.s32 @!p0 $0x108  }
0x21: {  	s3 =	sadd.s32 s3, s9;
	s6 =	sadd.s32 @!p0 $0x88, s6;
	s7 =	simm.s32 @p2 $0x1082  }
0x22: {  	[simem:s7], [sflag:s8] =	dma.local @!p0 [hbm:s6], $0xF7A  }
0x23: {  	s9 =	sor.u32 $0xD0000000, s2;
	s6 =	simm.s32 $0x108;
	_ =	swait.ge @!p0 [sflag:s8], $0x0  }
0x24: {  	s3 =	sadd.s32 $0x88, s3;
	s6 =	simm.s32 @!p1 $0x1082;
	[sflag:s4] =	ssyncset.s32 $0xFFFFF086  }
0x25: {  	[simem:s6], [sflag:s4] =	dma.local [hbm:s3], $0xF7A  }
0x26: {  	[smem:$0x3F98] =	sst s1;
	(tag) =	ssettag s2;
	_ =	strace s9  }
0x27: {  	s1 =	sld [smem:$0x3FA8]  }
0x28: {  	s2 =	sld [smem:$0x3FA9]  }
0x29: {  	s4 =	sld [smem:$0x3FAB]  }
0x2a: {  	p0 =	seq.s32 s5, $0x0;
	s5 =	sld [smem:$0x3FAC]  }
0x2b: {  	s6 =	sld [smem:$0x3FAD]  }
0x2c: {  	s7 =	sld [smem:$0x3FAE]  }
0x2d: {  	s3 =	simm.s32 $0x108;
	s8 =	sld [smem:$0x3FAF]  }
0x2e: {  	s3 =	simm.s32 @!p0 $0x1082;
	s9 =	sld [smem:$0x3FB0]  }
0x2f: {  	lr =	sadd.s32 s0, s3;
	s0 =	sld [smem:$0x3FA7]  }
0x30: {  	s3 =	sld [smem:$0x3FAA]  }
0x31: {  	[smem:$0x3FB3] =	sst s10  }
0x32: {  	s10 =	sld [smem:$0x3FB1];
	_ =	sdelay $0x3  }
0x33: {  	p0 =	seq.s32 s10, $0x1;
	s10 =	sld [smem:$0x3FB3];
	_ =	sdelay $0x3  }
0x34: {  	[smem:$0x3FB3] =	sst s10  }
0x35: {  	s10 =	sld [smem:$0x3FB2];
	_ =	sdelay $0x3  }
0x36: {  	p1 =	seq.s32 s10, $0x1;
	s10 =	sld [smem:$0x3FB3];
	_ =	sdelay $0x3  }
0x37: {  	[smem:$0x3FB3] =	sst s10  }
0x38: {  	s10 =	sld [smem:$0x3FB4]  }
0x39: {  	_ = 	snop;
	(pc) =	sbr.ind lr, $3  }
0x3a: {  	_ = 	snop  }
0x3b: {  	_ = 	snop  }
0x3c: {  	p2 =	seq.s32 s10, $0x1;
	s10 =	sld [smem:$0x3FB3]  }
0x3d: {  	_ =	shalt  }
0x3e: {  	_ =	shalt  }
0x3f: {  	_ =	shalt  }
0x40: {  	_ =	shalt  }
0x41: {  	_ =	shalt  }
0x42: {  	_ =	shalt  }
0x43: {  	_ =	shalt  }
0x44: {  	_ =	shalt  }
0x45: {  	_ =	shalt  }
0x46: {  	_ =	shalt  }
0x47: {  	_ =	shalt  }
0x48: {  	_ =	shalt  }
0x49: {  	_ =	shalt  }
0x4a: {  	_ =	shalt  }
0x4b: {  	_ =	shalt  }
0x4c: {  	_ =	shalt  }
0x4d: {  	_ =	shalt  }
0x4e: {  	_ =	shalt  }
0x4f: {  	_ =	shalt  }
0x50: {  	_ =	shalt  }
0x51: {  	_ =	shalt  }
0x52: {  	_ =	shalt  }
0x53: {  	_ =	shalt  }
0x54: {  	_ =	shalt  }
0x55: {  	_ =	shalt  }
0x56: {  	_ =	shalt  }
0x57: {  	_ =	shalt  }
0x58: {  	_ =	shalt  }
0x59: {  	_ =	shalt  }
0x5a: {  	_ =	shalt  }
0x5b: {  	_ =	shalt  }
0x5c: {  	_ =	shalt  }
0x5d: {  	_ =	shalt  }
0x5e: {  	_ =	shalt  }
0x5f: {  	_ =	shalt  }
0x60: {  	_ =	shalt  }
0x61: {  	_ =	shalt  }
0x62: {  	_ =	shalt  }
0x63: {  	_ =	shalt  }
0x64: {  	_ =	shalt  }
0x65: {  	_ =	shalt  }
0x66: {  	_ =	shalt  }
0x67: {  	_ =	shalt  }
0x68: {  	_ =	shalt  }
0x69: {  	_ =	shalt  }
0x6a: {  	_ =	shalt  }
0x6b: {  	_ =	shalt  }
0x6c: {  	_ =	shalt  }
0x6d: {  	_ =	shalt  }
0x6e: {  	_ =	shalt  }
0x6f: {  	_ =	shalt  }
0x70: {  	_ =	shalt  }
0x71: {  	_ =	shalt  }
0x72: {  	_ =	shalt  }
0x73: {  	_ =	shalt  }
0x74: {  	_ =	shalt  }
0x75: {  	_ =	shalt  }
0x76: {  	_ =	shalt  }
0x77: {  	_ =	shalt  }
0x78: {  	_ =	shalt  }
0x79: {  	_ =	shalt  }
0x7a: {  	_ =	shalt  }
0x7b: {  	_ =	shalt  }
0x7c: {  	_ =	shalt  }
0x7d: {  	_ =	shalt  }
0x7e: {  	_ =	shalt  }
0x7f: {  	_ =	shalt  }
0x80: {  	_ =	shalt  }
0x81: {  	_ =	shalt  }
0x82: {  	_ =	shalt  }
0x83: {  	_ =	shalt  }
0x84: {  	_ =	shalt  }
0x85: {  	_ =	shalt  }
0x86: {  	_ =	shalt  }
0x87: {  	_ =	shalt  }
.Lfunc_end0:
.L_simem_size_0:
called_computation.3_lowered:
.L_overlay_start_0:
0x88: {  	s2 =	sld [smem:$0x3FD9]  }
0x89: {  	s3 =	sld [smem:$0x3FFE];
	_ =	sdelay $0x1  }
0x8a: {  	s1 =	srdreg.scid  }
0x8b: {  	s0 =	sand.u32 $0x1, s1  }
0x8c: {  	s14 =	sshll.u32 s0, $0xA;
	s2 =	sadd.s32 s3, s2  }
0x8d: {  	s2 =	sadd.s32 s2, s14  }
0x8e: {  	[smem:$0x3FBF] =	sst s2  }
0x8f: {  	_ = 	snop  }
0x90: {  	s2 =	sld [smem:$0x3FD0];
	_ =	sdelay $0x2  }
0x91: {  	s15 =	simm.s32 $0xA;
	s4 =	simm.s32 $0x10  }
0x92: {  	[smem:s4], [sflag:s15] =	dma.local [hbm:s2], $0x1  }
0x93: {  	_ =	swait.eq [sflag:s15], $0x1  }
0x94: {  	[sflag:s15] =	ssyncset.done $0x0  }
0x95: {  	[sflag:s15] =	ssyncadd.s32 $0xFFFFFFFF  }
0x96: {  	s16 =	sld [smem:$0x11];
	(tm) =	ssettm $0x1  }
0x97: {  	s17 =	sld [smem:$0x3FFB];
	_ =	sdelay $0x3  }
0x98: {  	_ =	strace s17  }
0x99: {  	s3 =	sld [smem:$0x3FFC];
	_ =	sdelay $0x3  }
0x9a: {  	_ =	strace s3  }
0x9b: {  	s3 =	sld [smem:$0x3FFD];
	_ =	sdelay $0x3  }
0x9c: {  	_ =	strace s3  }
0x9d: {  	_ =	strace $0x8FFFFFFF  }
0x9e: {  	s18 =	sld [smem:$0x3FDB];
	_ =	sdelay $0x1  }
0x9f: {  	s19 =	simm.s32 $_scs_section_size  }
0xa0: {  	s5 =	simm.s32 $_size__tile_overlayer_lowered;
	s6 =	simm.s32 $_tile_overlayer_lowered  }
0xa1: {  	s22 =	simm.s32 $0x1BFF;
	s21 =	sshll.u32 s6, $0x1;
	s3 =	sadd.s32 s19, s18  }
0xa2: {  	s7 =	simm.s32 $0x0;
	s20 =	sshll.u32 s5, $0x1;
	s5 =	sadd.s32 s21, s3  }
0xa3: {  	[timem:s7], [sflag:s22] =	dma.local [hbm:s5], s20  }
0xa4: {  	_ =	swait.ge [sflag:s22], s20  }
0xa5: {  	s4 =	ssub.s32 $0x0, s20;
	[sflag:s22] =	ssyncset.done $0x0  }
0xa6: {  	[sflag:s22] =	ssyncadd.s32 s4;
	_ =	sdelay $0x1  }
0xa7: {  	s23 =	simm.s32 $0x1B8B  }
0xa8: {  	_ =	swait.ge [sflag:s23], $0x1  }
0xa9: {  	[sflag:s23] =	ssyncset.done $0x0  }
0xaa: {  	s25 =	simm.s32 $0x1B8E;
	s24 =	sld [smem:$0x3FFE];
	[sflag:s23] =	ssyncadd.s32 $0xFFFFFFFF  }
0xab: {  	s26 =	simm.s32 $execute0_lowered;
	[smem:$0x3FD2] =	sst s25  }
0xac: {  	s5 =	sshll.u32 s26, $0x1;
	_ =	strace $0x8000004F;
	[dreg:$0x1] =	wrdreg $0xFFFFFFFF  }
0xad: {  	s28 =	simm.s32 $_size_execute0_lowered;
	s3 =	sadd.s32 s3, s5;
	[dreg:$0x0] =	wrdreg $0x0  }
0xae: {  	s5 =	sshll.u32 s28, $0x1;
	[dreg:$0x2] =	wrdreg s3  }
0xaf: {  	[dreg:$0x3] =	wrdreg s5  }
0xb0: {  	[dreg:$0x4] =	wrdreg $0xC0  }
0xb1: {  	_ =	task [dreg:s7], $0x5FFFF  }
0xb2: {  	[dreg:$0x1] =	wrdreg $0xFFFFFFFF  }
0xb3: {  	[dreg:$0x0] =	wrdreg $0x60  }
0xb4: {  	[dreg:$0x2] =	wrdreg s16  }
0xb5: {  	[dreg:$0x3] =	wrdreg s24  }
0xb6: {  	[dreg:$0x4] =	wrdreg $0x9  }
0xb7: {  	_ =	task.clear_ibuf [dreg:s7], $0x5FFFF;
	_ =	strace $0x9000004F  }
0xb8: {  	s29 =	simm.s32 $0x9;
	_ =	strace $0x80000051  }
0xb9: {  	_ =	swait.ge [sflag:s29], $0x1  }
0xba: {  	[sflag:s29] =	ssyncadd.s32 $0xFFFFFFFF  }
0xbb: {  	_ =	strace $0x90000051  }
0xbc: {  	_ =	sfence  }
0xbd: {  	s30 =	sld [smem:$0x0];
	_ =	sdelay $0x2  }
0xbe: {  	s31 =	sshll.u32 s1, $0xD;
	s1 =	sshrl.u32 s1, $0x2  }
0xbf: {  	s3 =	sand.u32 $0x4000, s31;
	s1 =	sadd.s32 s1, s30  }
0xc0: {  	s0 =	sor.u32 s3, s0;
	s1 =	sshll.u32 s1, $0x11  }
0xc1: {  	s0 =	sor.u32 s1, s0  }
0xc2: {  	s0 =	sadd.s32 $0x8F2B, s0  }
0xc3: {  	[sflag:s0] =	ssyncadd.remote.s32 $0x1  }
0xc4: {  	_ =	sfence.sel $0xFFFF  }
0xc5: {  	[dreg:$0x0] =	wrdreg $0xFFFFFFFF;
	(pc) =	sbr.abs _section_cstart, $3  }
0xc6: {  	[dreg:$0x1] =	wrdreg $0xFFFFFFFF  }
0xc7: {  	_ =	task.clear_ibuf [dreg:s7], $0x2FFFF;
	_ =	strace $0x9FFFFFFF  }
0xc8: {  	(tm) =	ssettm $0x7FFFFFFF  }
0xc9: {  	_ =	shalt  }
tec
execute0_lowered:
.L_overlay_start_1:
0x0: {  	(tag) =	ssettag $0x1  }
0x1: {  	s1 =	srdreg.scid  }
0x2: {  	s0 =	stileid.u32;
	s2 =	rddreg [dreg:$0x0]  }
0x3: {  	s5 =	rddreg [dreg:$0x1];
	s3 =	simm.s32 $0x0;
	s10 =	simm.s32 $0x2780  }
0x4: {  	s11 =	simm.s32 $0x4F00;
	s4 =	sand.u32 $0x1, s1;
	s30 =	sshll.u32 s0, $0x1  }
0x5: {  	s12 =	simm.s32 $0x7680;
	s13 =	simm.s32 $0x9E00;
	s6 =	sor.u32 s4, s30  }
0x6: {  	s14 =	simm.s32 $0x0;
	[smem:$0x7FF] =	sst s3;
	s6 =	smul.u32 $0x4E2, s6  }
0x7: {  	s1 =	rddreg [dreg:$0x2];
	s7 =	ssub.s32 $0x2, s4;
	_ =	strace $0x80000050  }
0x8: {  	s4 =	sadd.s32 $0xB600, s5;
	s31 =	sshrl.u32 s7, $0x1;
	s8 =	sadd.s32 s6, s5  }
0x9: {  	s9 =	ssub.s32 s7, s31;
	s5 =	sadd.s32 $0xA1200, s8;
	s6 =	sadd.s32 $0x1800, s8  }
0xa: {  	s7 =	sadd.s32 $0xBC00, s8;
	s8 =	smax.u32 s9, $0x1;
	s9 =	simm.s32 $0x1  }
.LBB2_1:
0xb: {  	[tilespmem:s3], [sflag:$0x1] =	stream.linear.gather [hbm4b:s2+s3], $0x2780, $0x38;
	[tilespmem:$0xC580] =	vst v63  }
0xc: {  	_ =	swait.ge [sflag:s9], $0x2780  }
0xd: {  	[sflag:s9] =	ssyncset.done $0x0  }
0xe: {  	[sflag:s9] =	ssyncadd.s32 $0xFFFFD880  }
0xf: {  	[tilespmem:s10], [sflag:$0x1] =	stream.linear.gather [hbm4b:s4+s3], $0x2780, $0x38;
	[tilespmem:$0xC580] =	vst v63  }
0x10: {  	_ =	swait.ge [sflag:s9], $0x2780  }
0x11: {  	[sflag:s9] =	ssyncset.done $0x0  }
0x12: {  	[sflag:s9] =	ssyncadd.s32 $0xFFFFD880  }
0x13: {  	[tilespmem:s11], [sflag:$0x1] =	stream.linear.gather [hbm4b:s5+s3], $0x2710, $0x38;
	[tilespmem:$0xC580] =	vst v63  }
0x14: {  	_ =	swait.ge [sflag:s9], $0x2710  }
0x15: {  	[sflag:s9] =	ssyncset.done $0x0  }
0x16: {  	[sflag:s9] =	ssyncadd.s32 $0xFFFFD8F0  }
0x17: {  	[tilespmem:s12], [sflag:$0x1] =	stream.linear.gather [hbm4b:s6+s3], $0x2710, $0x38;
	[tilespmem:$0xC580] =	vst v63  }
0x18: {  	_ =	swait.ge [sflag:s9], $0x2710  }
0x19: {  	[sflag:s9] =	ssyncset.done $0x0  }
0x1a: {  	s15 =	simm.s32 $0x0;
	[sflag:s9] =	ssyncadd.s32 $0xFFFFD8F0  }
0x1b: {  	v0 =	vld [tilespmem:s15+$0x7680]  }
0x1c: {  	v1 =	vld [tilespmem:s15+$0x4F00];
	_ =	sdelay $0x6  }
0x1d: {  	v0 =	vld.idx.msk [tilespmem:v0+s10+$0x0], $0xffff  }
0x1e: {  	v1 =	vld.idx.msk [tilespmem:v1+s3+$0x0], $0xffff;
	_ =	sdelay $0x4  }
0x1f: {  	v0 =	vadd.f32 v0, v1;
	_ =	sdelay $0x1  }
0x20: {  	v0 =	vsub.f32 $0.0e+00, v0;
	_ =	sdelay $0x1  }
0x21: {  	v0 =	vmul.f32 $1.442695020e+00, v0;
	_ =	sdelay $0x1  }
0x22: {  	(erf) = vpow2.f32 v0;
	_ =	sdelay $0x8  }
0x23: {  	v0 =	vpop (erf)  }
0x24: {  	v0 =	vadd.f32 $1.000000000e+00, v0;
	_ =	sdelay $0x1  }
0x25: {  	(erf) = vrcp.f32 v0;
	_ =	sdelay $0x1  }
0x26: {  	s17 =	simm.s32 $0x10  }
0x27: {  	s16 =	simm.s32 $0x80;
	v0 =	vld [tilespmem:s17+$0x7680]  }
.LBB2_2:
0x28: {  	p0 =	sne.s32 s16, $0x9C00;
	v1 =	vld [tilespmem:s17+$0x4F00];
	_ =	sdelay $0x4  }
0x29: {  	v2 =	vpop (erf)  }
0x2a: {  	[tilespmem:s15+$0x9E00] =	vst v2;
	s15 =	smov.u32 s17  }
0x2b: {  	v0 =	vld.idx.msk [tilespmem:v0+s10+$0x0], $0xffff  }
0x2c: {  	v1 =	vld.idx.msk [tilespmem:v1+s3+$0x0], $0xffff;
	_ =	sdelay $0x5  }
0x2d: {  	v0 =	vadd.f32 v0, v1;
	_ =	sdelay $0x1  }
0x2e: {  	v0 =	vsub.f32 $0.0e+00, v0;
	_ =	sdelay $0x1  }
0x2f: {  	v0 =	vmul.f32 $1.442695020e+00, v0;
	_ =	sdelay $0x1  }
0x30: {  	(erf) = vpow2.f32 v0;
	_ =	sdelay $0x8  }
0x31: {  	v0 =	vpop (erf)  }
0x32: {  	v0 =	vadd.f32 $1.000000000e+00, v0  }
.Ltmp0:
0x33: {  	(pc) =	sbr.rel @p0 .LBB2_2-.Ltmp0, $3  }
0x34: {  	(erf) = vrcp.f32 v0;
	_ =	sdelay $0x1  }
0x35: {  	s17 =	sshra.s32 s16, $0x2  }
0x36: {  	s16 =	sadd.s32 $0x40, s16;
	v0 =	vld [tilespmem:s17+$0x7680]  }
0x37: {  	_ = 	snop  }
0x38: {  	v1 =	vld [tilespmem:s17+$0x4F00];
	_ =	sdelay $0x4  }
0x39: {  	v2 =	vpop (erf)  }
0x3a: {  	[tilespmem:s15+$0x9E00] =	vst v2  }
0x3b: {  	v0 =	vld.idx.msk [tilespmem:v0+s10+$0x0], $0xffff  }
0x3c: {  	v1 =	vld.idx.msk [tilespmem:v1+s3+$0x0], $0xffff;
	_ =	sdelay $0x4  }
0x3d: {  	v0 =	vadd.f32 v0, v1;
	_ =	sdelay $0x1  }
0x3e: {  	v0 =	vsub.f32 $0.0e+00, v0;
	_ =	sdelay $0x1  }
0x3f: {  	v0 =	vmul.f32 $1.442695020e+00, v0;
	_ =	sdelay $0x1  }
0x40: {  	(erf) = vpow2.f32 v0;
	_ =	sdelay $0x8  }
0x41: {  	v0 =	vpop (erf)  }
0x42: {  	v0 =	vadd.f32 $1.000000000e+00, v0;
	_ =	sdelay $0x1  }
0x43: {  	(erf) = vrcp.f32 v0;
	_ =	sdelay $0x7  }
0x44: {  	s14 =	sadd.s32 $0x1, s14  }
0x45: {  	p0 =	sne.s32 s14, s8;
	v0 =	vpop (erf)  }
.Ltmp1:
0x46: {  	[tilespmem:s17+$0x9E00] =	vst v0;
	(pc) =	sbr.rel @p0 .LBB2_1-.Ltmp1, $4  }
0x47: {  	[hbm4b:s7+s3] =	stream.linear.scatter [tilespmem:s13], [sflag:$0x1], $0x2710, $0x38;
	[tilespmem:$0xC580] =	vst v63  }
0x48: {  	_ =	swait.ge [sflag:s9], $0x2710  }
0x49: {  	[sflag:s9] =	ssyncset.done $0x0  }
0x4a: {  	[sflag:s9] =	ssyncadd.s32 $0xFFFFD8F0  }
0x4b: {  	_ =	sfence.sel $0x180000  }
0x4c: {  	[bflag:$0x0] =	sbarrier.arrive $0xFFFF  }
0x4d: {  	p0 =	sne.s32 s0, $0x0;
	_ =	strace $0x90000050  }
0x4e: {  	s0 =	sadd.s32 @!p0 $0x100000, s1;
	[bflag:$0x2] =	sbarrier.arrive $0xFFFF  }
0x4f: {  	[sflag:s0] =	ssyncadd.tile.s32 @!p0 $0x1;
	_ =	shalt  }
.Lfunc_end2:
_tile_overlayer_lowered:
.L_overlay_start_2:
0x50: {  	(tag) =	ssettag $0x2  }
0x51: {  	s0 =	rddreg [dreg:$0x0];
	s2 =	stileid.u32  }
0x52: {  	s1 =	rddreg [dreg:$0x1];
	p0 =	sne.s32 s2, $0x0  }
0x53: {  	s3 =	rddreg [dreg:$0x2];
	[bflag:$0x3] =	sbarrier.arrive $0xFFFF;
	s2 =	simm.s32 @!p0 $0x1C01  }
0x54: {  	[timem:s3], [sflag:s2] =	dma.local @!p0 [hbm:s0], s1  }
0x55: {  	s0 =	simm.s32 @!p0 $0x1  }
0x56: {  	_ =	swait.ge @!p0 [sflag:s0], s1  }
0x57: {  	s1 =	ssub.s32 @!p0 $0x0, s1;
	[sflag:s0] =	ssyncset.done @!p0 $0x0  }
0x58: {  	[sflag:s0] =	ssyncadd.s32 @!p0 s1  }
0x59: {  	[bflag:$0x3] =	sbarrier.arrive $0xFFFF  }
0x5a: {  	_ =	shalt  }

// kernel: kernel.9.cloned.1.call-start
scs
__scs_entry_jumppad:
0x0: {  	(pc) =	sbr.rel $0x88, $3  }
0x1: {  	(tag) =	ssettag $0x0;
	lr =	simm.s32 $0x1  }
0x2: {  	[smem:$0x3F98] =	sst lr;
	_ =	strace $0xD0000000  }
0x3: {  	_ = 	snop  }
0x4: {  	_ = 	snop  }
0x5: {  	_ = 	snop  }
0x6: {  	_ = 	snop  }
0x7: {  	_ = 	snop  }
__scs_overlays_trampoline_lowered:
0x8: {  	[smem:$0x3FA7] =	sst s0  }
0x9: {  	[smem:$0x3FA8] =	sst s1  }
0xa: {  	[smem:$0x3FA9] =	sst s2  }
0xb: {  	[smem:$0x3FAA] =	sst s3  }
0xc: {  	[smem:$0x3FAB] =	sst s4  }
0xd: {  	[smem:$0x3FAC] =	sst s5  }
0xe: {  	[smem:$0x3FAD] =	sst s6  }
0xf: {  	[smem:$0x3FAE] =	sst s7  }
0x10: {  	[smem:$0x3FAF] =	sst s8  }
0x11: {  	[smem:$0x3FB0] =	sst s9;
	s0 =	simm.s32 @!p0 $0x0  }
0x12: {  	s1 =	sld [smem:$0x3F96];
	s0 =	simm.s32 @p0 $0x1  }
0x13: {  	[smem:$0x3FB1] =	sst s0;
	s0 =	simm.s32 @!p1 $0x0  }
0x14: {  	s2 =	sld [smem:$0x3F95];
	s0 =	simm.s32 @p1 $0x1  }
0x15: {  	[smem:$0x3FB2] =	sst s0;
	s0 =	simm.s32 @!p2 $0x0  }
0x16: {  	s3 =	sld [smem:$0x3FDB];
	s0 =	simm.s32 @p2 $0x1  }
0x17: {  	s4 =	simm.s32 $0x1BF5;
	[smem:$0x3FB4] =	sst s0  }
0x18: {  	s0 =	sld [smem:$0x3F97];
	_ =	swait.ge [sflag:s4], $0x0  }
0x19: {  	s7 =	sld [smem:$0x3F98]  }
0x1a: {  	s8 =	sadd.s32 $0xFFFFE003, lr  }
0x1b: {  	s9 =	sadd.s32 $0xFFFFFEF7, lr;
	s5 =	simm.s32 $0xFFFFFFFF;
	p2 =	slt.u32 s8, $0xFFFFF086  }
0x1c: {  	p1 =	slt.u32 s9, $0xF7A;
	s5 =	simm.s32 @!p2 $0x0  }
0x1d: {  	s5 =	simm.s32 @p1 $0x1;
	p0 =	seq.s32 s7, s2  }
0x1e: {  	s7 =	smul.u32 @!p0 $0xF7A, s2;
	p2 =	seq.s32 @!p0 s5, $0x0  }
0x1f: {  	s9 =	smul.u32 $0xF7A, s1;
	s8 =	simm.s32 @!p0 $0x1BF5;
	p2 =	por !p2, p0  }
0x20: {  	[sflag:s8] =	ssyncset.s32 @!p0 $0xFFFFF086;
	s6 =	sadd.s32 @!p0 s3, s7;
	s7 =	simm.s32 @!p0 $0x108  }
0x21: {  	s3 =	sadd.s32 s3, s9;
	s6 =	sadd.s32 @!p0 $0x88, s6;
	s7 =	simm.s32 @p2 $0x1082  }
0x22: {  	[simem:s7], [sflag:s8] =	dma.local @!p0 [hbm:s6], $0xF7A  }
0x23: {  	s9 =	sor.u32 $0xD0000000, s2;
	s6 =	simm.s32 $0x108;
	_ =	swait.ge @!p0 [sflag:s8], $0x0  }
0x24: {  	s3 =	sadd.s32 $0x88, s3;
	s6 =	simm.s32 @!p1 $0x1082;
	[sflag:s4] =	ssyncset.s32 $0xFFFFF086  }
0x25: {  	[simem:s6], [sflag:s4] =	dma.local [hbm:s3], $0xF7A  }
0x26: {  	[smem:$0x3F98] =	sst s1;
	(tag) =	ssettag s2;
	_ =	strace s9  }
0x27: {  	s1 =	sld [smem:$0x3FA8]  }
0x28: {  	s2 =	sld [smem:$0x3FA9]  }
0x29: {  	s4 =	sld [smem:$0x3FAB]  }
0x2a: {  	p0 =	seq.s32 s5, $0x0;
	s5 =	sld [smem:$0x3FAC]  }
0x2b: {  	s6 =	sld [smem:$0x3FAD]  }
0x2c: {  	s7 =	sld [smem:$0x3FAE]  }
0x2d: {  	s3 =	simm.s32 $0x108;
	s8 =	sld [smem:$0x3FAF]  }
0x2e: {  	s3 =	simm.s32 @!p0 $0x1082;
	s9 =	sld [smem:$0x3FB0]  }
0x2f: {  	lr =	sadd.s32 s0, s3;
	s0 =	sld [smem:$0x3FA7]  }
0x30: {  	s3 =	sld [smem:$0x3FAA]  }
0x31: {  	[smem:$0x3FB3] =	sst s10  }
0x32: {  	s10 =	sld [smem:$0x3FB1];
	_ =	sdelay $0x3  }
0x33: {  	p0 =	seq.s32 s10, $0x1;
	s10 =	sld [smem:$0x3FB3];
	_ =	sdelay $0x3  }
0x34: {  	[smem:$0x3FB3] =	sst s10  }
0x35: {  	s10 =	sld [smem:$0x3FB2];
	_ =	sdelay $0x3  }
0x36: {  	p1 =	seq.s32 s10, $0x1;
	s10 =	sld [smem:$0x3FB3];
	_ =	sdelay $0x3  }
0x37: {  	[smem:$0x3FB3] =	sst s10  }
0x38: {  	s10 =	sld [smem:$0x3FB4]  }
0x39: {  	_ = 	snop;
	(pc) =	sbr.ind lr, $3  }
0x3a: {  	_ = 	snop  }
0x3b: {  	_ = 	snop  }
0x3c: {  	p2 =	seq.s32 s10, $0x1;
	s10 =	sld [smem:$0x3FB3]  }
0x3d: {  	_ =	shalt  }
0x3e: {  	_ =	shalt  }
0x3f: {  	_ =	shalt  }
0x40: {  	_ =	shalt  }
0x41: {  	_ =	shalt  }
0x42: {  	_ =	shalt  }
0x43: {  	_ =	shalt  }
0x44: {  	_ =	shalt  }
0x45: {  	_ =	shalt  }
0x46: {  	_ =	shalt  }
0x47: {  	_ =	shalt  }
0x48: {  	_ =	shalt  }
0x49: {  	_ =	shalt  }
0x4a: {  	_ =	shalt  }
0x4b: {  	_ =	shalt  }
0x4c: {  	_ =	shalt  }
0x4d: {  	_ =	shalt  }
0x4e: {  	_ =	shalt  }
0x4f: {  	_ =	shalt  }
0x50: {  	_ =	shalt  }
0x51: {  	_ =	shalt  }
0x52: {  	_ =	shalt  }
0x53: {  	_ =	shalt  }
0x54: {  	_ =	shalt  }
0x55: {  	_ =	shalt  }
0x56: {  	_ =	shalt  }
0x57: {  	_ =	shalt  }
0x58: {  	_ =	shalt  }
0x59: {  	_ =	shalt  }
0x5a: {  	_ =	shalt  }
0x5b: {  	_ =	shalt  }
0x5c: {  	_ =	shalt  }
0x5d: {  	_ =	shalt  }
0x5e: {  	_ =	shalt  }
0x5f: {  	_ =	shalt  }
0x60: {  	_ =	shalt  }
0x61: {  	_ =	shalt  }
0x62: {  	_ =	shalt  }
0x63: {  	_ =	shalt  }
0x64: {  	_ =	shalt  }
0x65: {  	_ =	shalt  }
0x66: {  	_ =	shalt  }
0x67: {  	_ =	shalt  }
0x68: {  	_ =	shalt  }
0x69: {  	_ =	shalt  }
0x6a: {  	_ =	shalt  }
0x6b: {  	_ =	shalt  }
0x6c: {  	_ =	shalt  }
0x6d: {  	_ =	shalt  }
0x6e: {  	_ =	shalt  }
0x6f: {  	_ =	shalt  }
0x70: {  	_ =	shalt  }
0x71: {  	_ =	shalt  }
0x72: {  	_ =	shalt  }
0x73: {  	_ =	shalt  }
0x74: {  	_ =	shalt  }
0x75: {  	_ =	shalt  }
0x76: {  	_ =	shalt  }
0x77: {  	_ =	shalt  }
0x78: {  	_ =	shalt  }
0x79: {  	_ =	shalt  }
0x7a: {  	_ =	shalt  }
0x7b: {  	_ =	shalt  }
0x7c: {  	_ =	shalt  }
0x7d: {  	_ =	shalt  }
0x7e: {  	_ =	shalt  }
0x7f: {  	_ =	shalt  }
0x80: {  	_ =	shalt  }
0x81: {  	_ =	shalt  }
0x82: {  	_ =	shalt  }
0x83: {  	_ =	shalt  }
0x84: {  	_ =	shalt  }
0x85: {  	_ =	shalt  }
0x86: {  	_ =	shalt  }
0x87: {  	_ =	shalt  }
.Lfunc_end0:
.L_simem_size_0:
called_computation_lowered:
.L_overlay_start_0:
0x88: {  	s2 =	sld [smem:$0x3FD9]  }
0x89: {  	s3 =	sld [smem:$0x3FFE];
	_ =	sdelay $0x1  }
0x8a: {  	s1 =	srdreg.scid  }
0x8b: {  	s0 =	sand.u32 $0x1, s1  }
0x8c: {  	s14 =	sshll.u32 s0, $0xA;
	s2 =	sadd.s32 s3, s2  }
0x8d: {  	s2 =	sadd.s32 s2, s14  }
0x8e: {  	[smem:$0x3FBF] =	sst s2  }
0x8f: {  	_ = 	snop  }
0x90: {  	s2 =	sld [smem:$0x3FD0];
	_ =	sdelay $0x2  }
0x91: {  	s15 =	simm.s32 $0xA;
	s4 =	simm.s32 $0x10  }
0x92: {  	[smem:s4], [sflag:s15] =	dma.local [hbm:s2], $0x1  }
0x93: {  	_ =	swait.eq [sflag:s15], $0x1  }
0x94: {  	[sflag:s15] =	ssyncset.done $0x0  }
0x95: {  	s16 =	sld [smem:$0x10];
	[sflag:s15] =	ssyncadd.s32 $0xFFFFFFFF  }
0x96: {  	s17 =	sld [smem:$0x11];
	(tm) =	ssettm $0x1  }
0x97: {  	s18 =	sld [smem:$0x3FFB];
	_ =	sdelay $0x3  }
0x98: {  	_ =	strace s18  }
0x99: {  	s4 =	sld [smem:$0x3FFC];
	_ =	sdelay $0x3  }
0x9a: {  	_ =	strace s4  }
0x9b: {  	s4 =	sld [smem:$0x3FFD];
	_ =	sdelay $0x3  }
0x9c: {  	_ =	strace s4  }
0x9d: {  	_ =	strace $0x8FFFFFFF  }
0x9e: {  	s19 =	sld [smem:$0x3FDB];
	_ =	sdelay $0x1  }
0x9f: {  	s5 =	simm.s32 $_scs_section_size  }
0xa0: {  	s6 =	simm.s32 $_size__tile_overlayer_lowered;
	s7 =	simm.s32 $_tile_overlayer_lowered  }
0xa1: {  	s22 =	simm.s32 $0x1BFF;
	s21 =	sshll.u32 s7, $0x1;
	s4 =	sadd.s32 s5, s19  }
0xa2: {  	s8 =	simm.s32 $0x0;
	s20 =	sshll.u32 s6, $0x1;
	s6 =	sadd.s32 s21, s4  }
0xa3: {  	[timem:s8], [sflag:s22] =	dma.local [hbm:s6], s20  }
0xa4: {  	_ =	swait.ge [sflag:s22], s20  }
0xa5: {  	s5 =	ssub.s32 $0x0, s20;
	[sflag:s22] =	ssyncset.done $0x0  }
0xa6: {  	[sflag:s22] =	ssyncadd.s32 s5;
	_ =	sdelay $0x1  }
0xa7: {  	s23 =	simm.s32 $0x1B8B  }
0xa8: {  	_ =	swait.ge [sflag:s23], $0x1  }
0xa9: {  	[sflag:s23] =	ssyncset.done $0x0  }
0xaa: {  	s25 =	simm.s32 $0x1B8E;
	s24 =	sld [smem:$0x3FFE];
	[sflag:s23] =	ssyncadd.s32 $0xFFFFFFFF  }
0xab: {  	s26 =	simm.s32 $execute0_lowered;
	[smem:$0x3FD2] =	sst s25  }
0xac: {  	s6 =	sshll.u32 s26, $0x1;
	_ =	strace $0x80000046;
	[dreg:$0x1] =	wrdreg $0xFFFFFFFF  }
0xad: {  	s28 =	simm.s32 $_size_execute0_lowered;
	s4 =	sadd.s32 s4, s6;
	[dreg:$0x0] =	wrdreg $0x0  }
0xae: {  	s6 =	sshll.u32 s28, $0x1;
	[dreg:$0x2] =	wrdreg s4  }
0xaf: {  	[dreg:$0x3] =	wrdreg s6  }
0xb0: {  	[dreg:$0x4] =	wrdreg $0xC0  }
0xb1: {  	_ =	task [dreg:s8], $0x5FFFF  }
0xb2: {  	[dreg:$0x1] =	wrdreg $0xFFFFFFFF  }
0xb3: {  	[dreg:$0x0] =	wrdreg $0x60  }
0xb4: {  	[dreg:$0x2] =	wrdreg s24  }
0xb5: {  	[dreg:$0x3] =	wrdreg s17  }
0xb6: {  	[dreg:$0x4] =	wrdreg s16  }
0xb7: {  	[dreg:$0x5] =	wrdreg $0x9  }
0xb8: {  	_ =	task.clear_ibuf [dreg:s8], $0x6FFFF;
	_ =	strace $0x90000046  }
0xb9: {  	s29 =	simm.s32 $0x9;
	_ =	strace $0x80000048  }
0xba: {  	_ =	swait.ge [sflag:s29], $0x1  }
0xbb: {  	[sflag:s29] =	ssyncadd.s32 $0xFFFFFFFF  }
0xbc: {  	_ =	strace $0x90000048  }
0xbd: {  	_ =	sfence  }
0xbe: {  	s30 =	sld [smem:$0x0];
	_ =	sdelay $0x2  }
0xbf: {  	s31 =	sshll.u32 s1, $0xD;
	s1 =	sshrl.u32 s1, $0x2  }
0xc0: {  	s3 =	sand.u32 $0x4000, s31;
	s1 =	sadd.s32 s1, s30  }
0xc1: {  	s0 =	sor.u32 s3, s0;
	s1 =	sshll.u32 s1, $0x11  }
0xc2: {  	s0 =	sor.u32 s1, s0  }
0xc3: {  	s0 =	sadd.s32 $0x8F2B, s0  }
0xc4: {  	[sflag:s0] =	ssyncadd.remote.s32 $0x1  }
0xc5: {  	_ =	sfence.sel $0xFFFF  }
0xc6: {  	[dreg:$0x0] =	wrdreg $0xFFFFFFFF;
	(pc) =	sbr.abs _section_cstart, $3  }
0xc7: {  	[dreg:$0x1] =	wrdreg $0xFFFFFFFF  }
0xc8: {  	_ =	task.clear_ibuf [dreg:s8], $0x2FFFF;
	_ =	strace $0x9FFFFFFF  }
0xc9: {  	(tm) =	ssettm $0x7FFFFFFF  }
tec
execute0_lowered:
.L_overlay_start_1:
0x0: {  	(tag) =	ssettag $0x1  }
0x1: {  	s4 =	rddreg [dreg:$0x0]  }
0x2: {  	s2 =	rddreg [dreg:$0x1]  }
0x3: {  	s1 =	srdreg.scid;
	s0 =	stileid.u32  }
0x4: {  	s7 =	rddreg [dreg:$0x2];
	s3 =	simm.s32 $0x0;
	s11 =	simm.s32 $0x4F00  }
0x5: {  	s12 =	simm.s32 $0x7680;
	s13 =	simm.s32 $0x80;
	s14 =	simm.s32 $0x400  }
0x6: {  	s5 =	sand.u32 $0x1, s1;
	s6 =	sshll.u32 s0, $0x1;
	s1 =	rddreg [dreg:$0x3]  }
0x7: {  	s15 =	simm.s32 $0x0;
	[smem:$0x7FF] =	sst s3;
	s6 =	sor.u32 s5, s6  }
0x8: {  	s9 =	sshrl.u32 s0, $0x2;
	s5 =	ssub.s32 $0x2, s5;
	s8 =	smul.u32 $0x4E2, s6  }
0x9: {  	s9 =	smul.u32 $0x13C00, s9;
	_ =	strace $0x80000047;
	s6 =	sshll.u32 s6, $0x7  }
0xa: {  	s10 =	sshrl.u32 s5, $0x1;
	s6 =	sand.u32 $0x380, s6;
	s8 =	sadd.s32 s8, s4  }
0xb: {  	s10 =	ssub.s32 s5, s10;
	s30 =	sor.u32 s9, s6;
	s4 =	sadd.s32 $0xB400, s8  }
0xc: {  	s6 =	sshrl.u32 s30, $0x3;
	s9 =	sadd.s32 $0x4F000, s30;
	s5 =	sadd.s32 $0x1600, s8  }
0xd: {  	s8 =	smax.u32 s10, $0x1;
	s10 =	simm.s32 $0x2780;
	s31 =	sshrl.u32 s9, $0x3  }
0xe: {  	v0 =	vimm.f32 $1.000000000e+00;
	s6 =	sadd.s32 s7, s6;
	s9 =	simm.s32 $0x1;
	s7 =	sadd.s32 s7, s31  }
.LBB2_1:
0xf: {  	[tilespmem:s3], [sflag:$0x1] =	stream.linear.gather [hbm4b:s2+s3], $0x2780, $0x38;
	[tilespmem:$0x9E00] =	vst v63  }
0x10: {  	_ =	swait.ge [sflag:s9], $0x2780  }
0x11: {  	[sflag:s9] =	ssyncset.done $0x0  }
0x12: {  	[sflag:s9] =	ssyncadd.s32 $0xFFFFD880  }
0x13: {  	[tilespmem:s10], [sflag:$0x1] =	stream.linear.gather [hbm4b:s2+s3], $0x2780, $0x38;
	[tilespmem:$0x9E00] =	vst v63  }
0x14: {  	_ =	swait.ge [sflag:s9], $0x2780  }
0x15: {  	[sflag:s9] =	ssyncset.done $0x0  }
0x16: {  	[sflag:s9] =	ssyncadd.s32 $0xFFFFD880  }
0x17: {  	[tilespmem:s11], [sflag:$0x1] =	stream.linear.gather [hbm4b:s4+s3], $0x2710, $0x38;
	[tilespmem:$0x9E00] =	vst v63  }
0x18: {  	_ =	swait.ge [sflag:s9], $0x2710  }
0x19: {  	[sflag:s9] =	ssyncset.done $0x0  }
0x1a: {  	[sflag:s9] =	ssyncadd.s32 $0xFFFFD8F0  }
0x1b: {  	[tilespmem:s12], [sflag:$0x1] =	stream.linear.gather [hbm4b:s5+s3], $0x2710, $0x38;
	[tilespmem:$0x9E00] =	vst v63  }
0x1c: {  	_ =	swait.ge [sflag:s9], $0x2710  }
0x1d: {  	[sflag:s9] =	ssyncset.done $0x0  }
0x1e: {  	s17 =	simm.s32 $0x0;
	[sflag:s9] =	ssyncadd.s32 $0xFFFFD8F0  }
0x1f: {  	s16 =	simm.s32 $0x40;
	v1 =	vld [tilespmem:s17+$0x4F00]  }
.LBB2_2:
0x20: {  	p0 =	sne.s32 s16, $0x9C00;
	v2 =	vld [tilespmem:s17+$0x7680];
	_ =	sdelay $0x4  }
.Ltmp0:
0x21: {  	(pc) =	sbr.rel @p0 .LBB2_2-.Ltmp0, $4  }
0x22: {  	_ = 	snop  }
0x23: {  	[tilespmem:v1+s3+$0x0] =	vst.idx.add.f32.msk $0xffff, v0  }
0x24: {  	s17 =	sshra.s32 s16, $0x2;
	[tilespmem:v2+s10+$0x0] =	vst.idx.add.f32.msk $0xffff, v0  }
0x25: {  	s16 =	sadd.s32 $0x40, s16;
	v1 =	vld [tilespmem:s17+$0x4F00]  }
0x26: {  	_ = 	snop  }
0x27: {  	v2 =	vld [tilespmem:s17+$0x7680];
	_ =	sdelay $0x6  }
0x28: {  	[tilespmem:v1+s3+$0x0] =	vst.idx.add.f32.msk $0xffff, v0  }
0x29: {  	[tilespmem:v2+s10+$0x0] =	vst.idx.add.f32.msk $0xffff, v0  }
0x2a: {  	[hbm4b:s6+s13] =	stream.strided.scatter [tilespmem:s3], [sflag:$0x1], $0x2780, s14, s13, $0x38;
	[tilespmem:$0x9E00] =	vst v63  }
0x2b: {  	s15 =	sadd.s32 $0x1, s15;
	_ =	swait.ge [sflag:s9], $0x2780  }
0x2c: {  	p0 =	sne.s32 s15, s8;
	[sflag:s9] =	ssyncset.done $0x0  }
.Ltmp1:
0x2d: {  	[sflag:s9] =	ssyncadd.s32 $0xFFFFD880;
	(pc) =	sbr.rel @p0 .LBB2_1-.Ltmp1, $4  }
0x2e: {  	[hbm4b:s7+s13] =	stream.strided.scatter [tilespmem:s10], [sflag:$0x1], $0x2780, s14, s13, $0x38;
	[tilespmem:$0x9E00] =	vst v63  }
0x2f: {  	_ =	swait.ge [sflag:s9], $0x2780  }
0x30: {  	[sflag:s9] =	ssyncset.done $0x0  }
0x31: {  	[sflag:s9] =	ssyncadd.s32 $0xFFFFD880  }
0x32: {  	_ =	sfence.sel $0x180000  }
0x33: {  	[bflag:$0x0] =	sbarrier.arrive $0xFFFF  }
0x34: {  	p0 =	sne.s32 s0, $0x0;
	_ =	strace $0x90000047  }
0x35: {  	s0 =	sadd.s32 @!p0 $0x100000, s1;
	[bflag:$0x2] =	sbarrier.arrive $0xFFFF  }
0x36: {  	[sflag:s0] =	ssyncadd.tile.s32 @!p0 $0x1;
	_ =	shalt  }
.Lfunc_end2:
_tile_overlayer_lowered:
.L_overlay_start_2:
0x37: {  	(tag) =	ssettag $0x2  }
0x38: {  	s0 =	rddreg [dreg:$0x0];
	s2 =	stileid.u32  }
0x39: {  	s1 =	rddreg [dreg:$0x1];
	p0 =	sne.s32 s2, $0x0  }
0x3a: {  	s3 =	rddreg [dreg:$0x2];
	[bflag:$0x3] =	sbarrier.arrive $0xFFFF;
	s2 =	simm.s32 @!p0 $0x1C01  }
0x3b: {  	[timem:s3], [sflag:s2] =	dma.local @!p0 [hbm:s0], s1  }
0x3c: {  	s0 =	simm.s32 @!p0 $0x1  }
0x3d: {  	_ =	swait.ge @!p0 [sflag:s0], s1  }
0x3e: {  	s1 =	ssub.s32 @!p0 $0x0, s1;
	[sflag:s0] =	ssyncset.done @!p0 $0x0  }
0x3f: {  	[sflag:s0] =	ssyncadd.s32 @!p0 s1  }
0x40: {  	[bflag:$0x3] =	sbarrier.arrive $0xFFFF  }
0x41: {  	_ =	shalt  }

</sc_bundles>
